<compile_context>
chip_gen: v7x
topology: tpu7x:2x2x1
jax: 0.10.2.dev20260603
libtpu: 0.0.44.dev20260713+nightly
codegen_flags: <defaults>
</compile_context>

<pallas_src>
import functools

import jax
import jax.numpy as jnp
from jax import lax
from jax.experimental import pallas as pl
from jax.experimental.pallas import tpu as pltpu
from jax.experimental.pallas import tpu_sc as plsc

N_NODES = 10000
N_EDGES = 320000
NP = 10240
NC, NS = 2, 16
EW = N_EDGES // NS
COLS = 80
ROWS = EW // COLS
GROUPS = COLS // 16
NODE_CHUNK = NP // NS
TAIL = N_NODES - (NS - 1) * NODE_CHUNK

_MESH = plsc.VectorSubcoreMesh(
    core_axis_name="c", subcore_axis_name="s", num_cores=NC, num_subcores=NS
)


def _tc_fused(x, Wt, attr8, Wblk, Cdiff):
    E8 = N_EDGES // 8
    EB = E8 // 10

    def body(x_ref, w_ref, a_ref, wb_ref, c_ref, s_ref, p_ref, g_ref):
        @pl.when(pl.program_id(0) == 0)
        def _node_scores():
            s_ref[...] = jnp.sum(x_ref[...] * w_ref[...], axis=1)

        p2 = jnp.dot(a_ref[...], wb_ref[...],
                     preferred_element_type=jnp.float32)
        p_ref[...] = p2
        d = jnp.dot(p2, c_ref[...], preferred_element_type=jnp.float32)
        g_ref[...] = 1.0 / (1.0 + jnp.exp(-d))

    return pl.pallas_call(
        body,
        grid=(10,),
        in_specs=[
            pl.BlockSpec((N_NODES, 128), lambda i: (0, 0)),
            pl.BlockSpec((1, 128), lambda i: (0, 0)),
            pl.BlockSpec((EB, 128), lambda i: (i, 0)),
            pl.BlockSpec((128, 16), lambda i: (0, 0)),
            pl.BlockSpec((16, 8), lambda i: (0, 0)),
        ],
        out_specs=[
            pl.BlockSpec((N_NODES,), lambda i: (0,)),
            pl.BlockSpec((EB, 16), lambda i: (i, 0)),
            pl.BlockSpec((EB, 8), lambda i: (i, 0)),
        ],
        out_shape=[
            jax.ShapeDtypeStruct((N_NODES,), jnp.float32),
            jax.ShapeDtypeStruct((E8, 16), jnp.float32),
            jax.ShapeDtypeStruct((E8, 8), jnp.float32),
        ],
    )(x, Wt, attr8, Wblk, Cdiff)


@functools.partial(
    pl.kernel,
    out_type=[
        jax.ShapeDtypeStruct((N_NODES,), jnp.float32),
        jax.ShapeDtypeStruct((N_EDGES,), jnp.float32),
    ],
    mesh=_MESH,
    compiler_params=pltpu.CompilerParams(needs_layout_passes=False),
    scratch_types=[
        pltpu.VMEM((N_NODES,), jnp.float32),
        pltpu.VMEM((EW,), jnp.int32),
        pltpu.VMEM((EW,), jnp.int32),
        pltpu.VMEM((EW,), jnp.float32),
        pltpu.VMEM((16,), jnp.float32),
        pltpu.VMEM((EW,), jnp.float32),
        pltpu.VMEM((EW,), jnp.float32),
        pltpu.VMEM((NP,), jnp.float32),
        pltpu.VMEM((NODE_CHUNK,), jnp.float32),
        pltpu.VMEM((NODE_CHUNK,), jnp.float32),
        pltpu.VMEM_SHARED((NP,), jnp.float32),
        pltpu.VMEM_SHARED((NP,), jnp.float32),
        pltpu.SemaphoreType.DMA,
        pltpu.SemaphoreType.DMA,
    ],
)
def _sc_attention_kernel(s_hbm, src_hbm, dst_hbm, g0_hbm, nw_hbm,
                         out_hbm, attn_hbm,
                         s_v, src_v, dst_v, g0_v, nw_v, ex_v, exsi_v,
                         r_v, n_v, o_v, acc_d, acc_n, sem_d, sem_n):
    c = lax.axis_index("c")
    s = lax.axis_index("s")

    @pl.when(c == 0)
    def _core0():
        def zero_body(i, carry):
            o_v[pl.ds(i * 16, 16)] = jnp.zeros((16,), jnp.float32)
            return carry

        lax.fori_loop(0, NODE_CHUNK // 16, zero_body, 0)
        pltpu.sync_copy(o_v, acc_d.at[pl.ds(s * NODE_CHUNK, NODE_CHUNK)])
        pltpu.sync_copy(o_v, acc_n.at[pl.ds(s * NODE_CHUNK, NODE_CHUNK)])

        base = s * EW
        pltpu.sync_copy(s_hbm, s_v)
        pltpu.sync_copy(src_hbm.at[pl.ds(base, EW)], src_v)
        pltpu.sync_copy(dst_hbm.at[pl.ds(base, EW)], dst_v)
        pltpu.sync_copy(g0_hbm.at[pl.ds(base, EW)], g0_v)
        pltpu.sync_copy(nw_hbm, nw_v)

        plsc.subcore_barrier()

        nw = nw_v[pl.ds(0, 16)]
        w00 = nw[0]
        w01 = nw[1]
        w10 = nw[2]
        w11 = nw[3]

        def row_body(r, carry):
            for j in range(GROUPS):
                sl = pl.ds(r * COLS + j * 16, 16)
                src16 = src_v[sl]
                dst16 = dst_v[sl]
                g0 = g0_v[sl]
                si = plsc.load_gather(s_v, [src16])
                sj = plsc.load_gather(s_v, [dst16])
                a0 = si * w00 + sj * w10
                a1 = si * w01 + sj * w11
                a0 = jnp.where(a0 >= 0.0, a0, a0 * 0.2)
                a1 = jnp.where(a1 >= 0.0, a1, a1 * 0.2)
                logit = a0 * g0 + a1 * (1.0 - g0)
                ex = jnp.exp(logit)
                ex_v[sl] = ex
                exsi_v[sl] = ex * si
            return carry

        lax.fori_loop(0, ROWS, row_body, 0)

        def fire_body(r, carry):
            rsl = pl.ds(r * COLS, COLS)
            pltpu.async_copy(ex_v.at[rsl], acc_d.at[dst_v.at[rsl]], sem_d,
                             add=True)
            pltpu.async_copy(exsi_v.at[rsl], acc_n.at[dst_v.at[rsl]], sem_n,
                             add=True)
            return carry

        lax.fori_loop(0, ROWS, fire_body, 0)

        def drain_body(r, carry):
            rsl = pl.ds(0, COLS)
            pltpu.make_async_copy(ex_v.at[rsl], acc_d.at[dst_v.at[rsl]],
                                  sem_d).wait()
            pltpu.make_async_copy(exsi_v.at[rsl], acc_n.at[dst_v.at[rsl]],
                                  sem_n).wait()
            return carry

        lax.fori_loop(0, ROWS, drain_body, 0)

        plsc.subcore_barrier()

        pltpu.sync_copy(acc_d, r_v)
        nb = s * NODE_CHUNK
        pltpu.sync_copy(acc_n.at[pl.ds(nb, NODE_CHUNK)], n_v)

        def recip_body(i, carry):
            sl = pl.ds(i * 16, 16)
            r_v[sl] = 1.0 / (r_v[sl] + 1e-16)
            return carry

        lax.fori_loop(0, NP // 16, recip_body, 0)

        def out_body(i, carry):
            sl = pl.ds(i * 16, 16)
            o_v[sl] = n_v[sl] * r_v[pl.ds(nb + i * 16, 16)]
            return carry

        lax.fori_loop(0, NODE_CHUNK // 16, out_body, 0)

        @pl.when(s < NS - 1)
        def _full_chunk():
            pltpu.sync_copy(o_v, out_hbm.at[pl.ds(nb, NODE_CHUNK)])

        @pl.when(s == NS - 1)
        def _tail_chunk():
            pltpu.sync_copy(o_v.at[pl.ds(0, TAIL)],
                            out_hbm.at[pl.ds((NS - 1) * NODE_CHUNK, TAIL)])

        def att_body(r, carry):
            for j in range(GROUPS):
                sl = pl.ds(r * COLS + j * 16, 16)
                rinv = plsc.load_gather(r_v, [dst_v[sl]])
                exsi_v[sl] = ex_v[sl] * rinv
            return carry

        lax.fori_loop(0, ROWS, att_body, 0)
        pltpu.sync_copy(exsi_v, attn_hbm.at[pl.ds(base, EW)])


def kernel(x, edge_index, edge_attr, W, node_W, edge_W):
    Wblk = jnp.kron(jnp.eye(8, dtype=jnp.float32), edge_W)
    Cdiff = jnp.kron(jnp.eye(8, dtype=jnp.float32),
                     jnp.array([[1.0], [-1.0]], dtype=jnp.float32))
    attr8 = edge_attr.reshape(N_EDGES // 8, 128)
    s1d, pair2, g02 = _tc_fused(x, W.reshape(1, 128), attr8, Wblk, Cdiff)

    src = edge_index[0]
    dst = edge_index[1]
    nw_flat = jnp.concatenate(
        [node_W.reshape(4), jnp.zeros((12,), jnp.float32)])

    out, attn = _sc_attention_kernel(
        s1d, src, dst, g02.reshape(N_EDGES), nw_flat)

    return (out, attn, pair2.reshape(N_EDGES, 2))

# --- scband reference (transcript-rebuilt; emitter-appended) ---
"""Pipeline reference for scband-gatv3-psi-13151189860860 (READ-ONLY COPY).

The authoritative reference and input builder live on the scoring server;
editing this copy changes nothing except your own understanding.
"""

import jax, jax.numpy as jnp
import numpy as np

N = 10000
E = 320000
D = 128
K = 8
OUT = 1


def setup_inputs(seed: int = 0) -> dict:
    key = jax.random.key(seed)
    k1, k2, k3, k4, k5, k6 = jax.random.split(key, 6)
    x = jax.random.normal(k1, (N, D), dtype=jnp.float32)
    edge_index = jax.random.randint(k2, (2, E), 0, N, dtype=jnp.int32)
    edge_attr = jax.random.normal(k3, (E, 2 * K), dtype=jnp.float32)
    # learned parameters (bias=False per init args)
    W = jax.random.normal(k4, (D, OUT), dtype=jnp.float32) / np.sqrt(D)
    node_W = jax.random.normal(k5, (2 * OUT, 2), dtype=jnp.float32) / np.sqrt(2 * OUT)
    edge_W = jax.random.normal(k6, (2 * K, 2), dtype=jnp.float32) / np.sqrt(2 * K)
    return {"x": x, "edge_index": edge_index, "edge_attr": edge_attr, "W": W, "node_W": node_W, "edge_W": edge_W}


def reference(x, edge_index, edge_attr, W, node_W, edge_W):
    src = edge_index[0]
    dst = edge_index[1]
    # shared-weight linear transform of node features (share_weights=True, bias=False)
    s = x @ W  # [N, OUT]
    si = jnp.take(s, src, axis=0)  # [E, OUT] gather (source)
    sj = jnp.take(s, dst, axis=0)  # [E, OUT] gather (dest)
    # node attention MLP: in_channels=2, out_channels=2
    node_in = jnp.concatenate([si, sj], axis=-1)  # [E, 2]
    node_out = jax.nn.leaky_relu(node_in @ node_W, 0.2)  # [E, 2]
    # edge attention MLP over eigenvector (psi) edge features: in=2k, out=2
    pair_pred = edge_attr @ edge_W  # [E, 2]
    gamma = jax.nn.softmax(pair_pred, axis=-1)  # [E, 2]
    # combine node and edge attention channels into a scalar logit per edge
    logits = jnp.sum(node_out * gamma, axis=-1)  # [E]
    # segment softmax over destination nodes
    m = jax.ops.segment_max(logits, dst, num_segments=N)  # [N]
    m = jax.lax.stop_gradient(m)
    ex = jnp.exp(logits - jnp.take(m, dst, axis=0))
    denom = jax.ops.segment_sum(ex, dst, num_segments=N)
    attn = ex / (jnp.take(denom, dst, axis=0) + 1e-16)  # [E]
    # weighted scatter-add aggregation of transformed source features
    out = jax.ops.segment_sum(attn[:, None] * si, dst, num_segments=N)  # [N, OUT]
    return (jnp.squeeze(out, axis=-1), attn, pair_pred)

if __name__ == "__main__":
    import jax
    _d = setup_inputs()
    print(jax.jit(kernel)(*tuple(_d.values())))

</pallas_src>

<mosaic_0001>
#map = affine_map<(d0, d1) -> (0)>
module attributes {stable_mosaic.version = 14 : i64} {
  func.func @_sc_attention_kernel(%arg0: i32, %arg1: i32, %arg2: memref<10000xf32, #tpu.memory_space<hbm>>, %arg3: memref<320000xi32, #tpu.memory_space<hbm>>, %arg4: memref<320000xi32, #tpu.memory_space<hbm>>, %arg5: memref<320000xf32, #tpu.memory_space<hbm>>, %arg6: memref<16xf32, #tpu.memory_space<hbm>>, %arg7: memref<10000xf32, #tpu.memory_space<hbm>>, %arg8: memref<320000xf32, #tpu.memory_space<hbm>>, %arg9: memref<10000xf32, #tpu.memory_space<vmem>>, %arg10: memref<20000xi32, #tpu.memory_space<vmem>>, %arg11: memref<20000xi32, #tpu.memory_space<vmem>>, %arg12: memref<20000xf32, #tpu.memory_space<vmem>>, %arg13: memref<16xf32, #tpu.memory_space<vmem>>, %arg14: memref<20000xf32, #tpu.memory_space<vmem>>, %arg15: memref<20000xf32, #tpu.memory_space<vmem>>, %arg16: memref<10240xf32, #tpu.memory_space<vmem>>, %arg17: memref<640xf32, #tpu.memory_space<vmem>>, %arg18: memref<640xf32, #tpu.memory_space<vmem>>, %arg19: memref<10240xf32, #tpu.memory_space<vmem_shared>>, %arg20: memref<10240xf32, #tpu.memory_space<vmem_shared>>, %arg21: memref<!tpu.dma_semaphore, #tpu.memory_space<semaphore_mem>>, %arg22: memref<!tpu.dma_semaphore, #tpu.memory_space<semaphore_mem>>) attributes {dimension_semantics = [#tpu.dimension_semantics<core_parallel>, #tpu.dimension_semantics<subcore_parallel>], iteration_bounds = array<i64: 2, 16>, scalar_prefetch = 0 : i64, scratch_operands = 14 : i64, tpu.core_type = #tpu.core_type<sc_vector_subcore>, window_params = [{transform_indices = #map}, {transform_indices = #map}, {transform_indices = #map}, {transform_indices = #map}, {transform_indices = #map}, {transform_indices = #map}, {transform_indices = #map}]} {
    %eq3A = arith.constant 0 : i32
    %eq3A_0 = arith.cmpi eq, %arg0, %eq3A : i32
    %convert_element_type3A = arith.extui %eq3A_0 : i1 to i32
    %cond3A = arith.constant 0 : i32
    %cond3A_1 = arith.cmpi ne, %convert_element_type3A, %cond3A : i32
    scf.if %cond3A_1 {
      %scan3A = arith.constant 0 : i32
      %scan3A_2 = arith.constant 0 : i32
      %scan3A_3 = arith.constant 40 : i32
      %scan3A_4 = arith.addi %scan3A_2, %scan3A_3 : i32
      %scan3A_5 = arith.constant 1 : i32
      scf.for %scan3A_67 = %scan3A_2 to %scan3A_4 step %scan3A_5  : i32 {
        %broadcast_in_dim3A = arith.constant 0.000000e+00 : f32
        %broadcast_in_dim3A_68 = vector.broadcast %broadcast_in_dim3A : f32 to vector<16xf32>
        %mul3A_69 = arith.constant 16 : i32
        %mul3A_70 = arith.muli %scan3A_67, %mul3A_69 : i32
        %swap3A = arith.index_cast %mul3A_70 : i32 to index
        %swap3A_71 = tpu.vector_load %arg18[%swap3A] {strides = array<i32>} : memref<640xf32, #tpu.memory_space<vmem>>, vector<16xf32>,
        tpu.vector_store %arg18[%swap3A], %broadcast_in_dim3A_68 {strides = array<i32>} : memref<640xf32, #tpu.memory_space<vmem>>, vector<16xf32>,
      }
      %scan3A_6 = arith.constant 40 : i32
      %mul3A = arith.constant 640 : i32
      %mul3A_7 = arith.muli %arg1, %mul3A : i32
      "tpu.region"() ({
        %run_scoped3A = tpu.sem_alloc : memref<!tpu.dma_semaphore, #tpu.memory_space<semaphore_mem>>
        %dma_start3A = tpu.memref_slice %arg19[%mul3A_7] : memref<10240xf32, #tpu.memory_space<vmem_shared>> -> memref<640xf32, #tpu.memory_space<vmem_shared>>
        %dma_start3A_67 = tpu.memref_slice %arg19[%mul3A_7] : memref<10240xf32, #tpu.memory_space<vmem_shared>> -> memref<640xf32, #tpu.memory_space<vmem_shared>>
        tpu.enqueue_dma source(%arg18 : memref<640xf32, #tpu.memory_space<vmem>>) target(%dma_start3A_67 : memref<640xf32, #tpu.memory_space<vmem_shared>>) target_semaphore(%run_scoped3A : memref<!tpu.dma_semaphore, #tpu.memory_space<semaphore_mem>>)
        %dma_wait3A = tpu.memref_slice %arg19[%mul3A_7] : memref<10240xf32, #tpu.memory_space<vmem_shared>> -> memref<640xf32, #tpu.memory_space<vmem_shared>>
        %dma_wait3A_68 = tpu.memref_slice %arg19[%mul3A_7] : memref<10240xf32, #tpu.memory_space<vmem_shared>> -> memref<640xf32, #tpu.memory_space<vmem_shared>>
        tpu.wait_dma2 semaphore(%run_scoped3A : memref<!tpu.dma_semaphore, #tpu.memory_space<semaphore_mem>>) src(%arg18 : memref<640xf32, #tpu.memory_space<vmem>>) dst(%dma_wait3A_68 : memref<640xf32, #tpu.memory_space<vmem_shared>>)
        tpu.yield
      }) : () -> ()
      %mul3A_8 = arith.constant 640 : i32
      %mul3A_9 = arith.muli %arg1, %mul3A_8 : i32
      "tpu.region"() ({
        %run_scoped3A = tpu.sem_alloc : memref<!tpu.dma_semaphore, #tpu.memory_space<semaphore_mem>>
        %dma_start3A = tpu.memref_slice %arg20[%mul3A_9] : memref<10240xf32, #tpu.memory_space<vmem_shared>> -> memref<640xf32, #tpu.memory_space<vmem_shared>>
        %dma_start3A_67 = tpu.memref_slice %arg20[%mul3A_9] : memref<10240xf32, #tpu.memory_space<vmem_shared>> -> memref<640xf32, #tpu.memory_space<vmem_shared>>
        tpu.enqueue_dma source(%arg18 : memref<640xf32, #tpu.memory_space<vmem>>) target(%dma_start3A_67 : memref<640xf32, #tpu.memory_space<vmem_shared>>) target_semaphore(%run_scoped3A : memref<!tpu.dma_semaphore, #tpu.memory_space<semaphore_mem>>)
        %dma_wait3A = tpu.memref_slice %arg20[%mul3A_9] : memref<10240xf32, #tpu.memory_space<vmem_shared>> -> memref<640xf32, #tpu.memory_space<vmem_shared>>
        %dma_wait3A_68 = tpu.memref_slice %arg20[%mul3A_9] : memref<10240xf32, #tpu.memory_space<vmem_shared>> -> memref<640xf32, #tpu.memory_space<vmem_shared>>
        tpu.wait_dma2 semaphore(%run_scoped3A : memref<!tpu.dma_semaphore, #tpu.memory_space<semaphore_mem>>) src(%arg18 : memref<640xf32, #tpu.memory_space<vmem>>) dst(%dma_wait3A_68 : memref<640xf32, #tpu.memory_space<vmem_shared>>)
        tpu.yield
      }) : () -> ()
      %mul3A_10 = arith.constant 20000 : i32
      %mul3A_11 = arith.muli %arg1, %mul3A_10 : i32
      "tpu.region"() ({
        %run_scoped3A = tpu.sem_alloc : memref<!tpu.dma_semaphore, #tpu.memory_space<semaphore_mem>>
        tpu.enqueue_dma source(%arg2 : memref<10000xf32, #tpu.memory_space<hbm>>) target(%arg9 : memref<10000xf32, #tpu.memory_space<vmem>>) target_semaphore(%run_scoped3A : memref<!tpu.dma_semaphore, #tpu.memory_space<semaphore_mem>>)
        tpu.wait_dma2 semaphore(%run_scoped3A : memref<!tpu.dma_semaphore, #tpu.memory_space<semaphore_mem>>) src(%arg2 : memref<10000xf32, #tpu.memory_space<hbm>>) dst(%arg9 : memref<10000xf32, #tpu.memory_space<vmem>>)
        tpu.yield
      }) : () -> ()
      "tpu.region"() ({
        %run_scoped3A = tpu.sem_alloc : memref<!tpu.dma_semaphore, #tpu.memory_space<semaphore_mem>>
        %dma_start3A = tpu.memref_slice %arg3[%mul3A_11] : memref<320000xi32, #tpu.memory_space<hbm>> -> memref<20000xi32, #tpu.memory_space<hbm>>
        %dma_start3A_67 = tpu.memref_slice %arg3[%mul3A_11] : memref<320000xi32, #tpu.memory_space<hbm>> -> memref<20000xi32, #tpu.memory_space<hbm>>
        tpu.enqueue_dma source(%dma_start3A_67 : memref<20000xi32, #tpu.memory_space<hbm>>) target(%arg10 : memref<20000xi32, #tpu.memory_space<vmem>>) target_semaphore(%run_scoped3A : memref<!tpu.dma_semaphore, #tpu.memory_space<semaphore_mem>>)
        %dma_wait3A = tpu.memref_slice %arg3[%mul3A_11] : memref<320000xi32, #tpu.memory_space<hbm>> -> memref<20000xi32, #tpu.memory_space<hbm>>
        %dma_wait3A_68 = tpu.memref_slice %arg3[%mul3A_11] : memref<320000xi32, #tpu.memory_space<hbm>> -> memref<20000xi32, #tpu.memory_space<hbm>>
        tpu.wait_dma2 semaphore(%run_scoped3A : memref<!tpu.dma_semaphore, #tpu.memory_space<semaphore_mem>>) src(%dma_wait3A_68 : memref<20000xi32, #tpu.memory_space<hbm>>) dst(%arg10 : memref<20000xi32, #tpu.memory_space<vmem>>)
        tpu.yield
      }) : () -> ()
      "tpu.region"() ({
        %run_scoped3A = tpu.sem_alloc : memref<!tpu.dma_semaphore, #tpu.memory_space<semaphore_mem>>
        %dma_start3A = tpu.memref_slice %arg4[%mul3A_11] : memref<320000xi32, #tpu.memory_space<hbm>> -> memref<20000xi32, #tpu.memory_space<hbm>>
        %dma_start3A_67 = tpu.memref_slice %arg4[%mul3A_11] : memref<320000xi32, #tpu.memory_space<hbm>> -> memref<20000xi32, #tpu.memory_space<hbm>>
        tpu.enqueue_dma source(%dma_start3A_67 : memref<20000xi32, #tpu.memory_space<hbm>>) target(%arg11 : memref<20000xi32, #tpu.memory_space<vmem>>) target_semaphore(%run_scoped3A : memref<!tpu.dma_semaphore, #tpu.memory_space<semaphore_mem>>)
        %dma_wait3A = tpu.memref_slice %arg4[%mul3A_11] : memref<320000xi32, #tpu.memory_space<hbm>> -> memref<20000xi32, #tpu.memory_space<hbm>>
        %dma_wait3A_68 = tpu.memref_slice %arg4[%mul3A_11] : memref<320000xi32, #tpu.memory_space<hbm>> -> memref<20000xi32, #tpu.memory_space<hbm>>
        tpu.wait_dma2 semaphore(%run_scoped3A : memref<!tpu.dma_semaphore, #tpu.memory_space<semaphore_mem>>) src(%dma_wait3A_68 : memref<20000xi32, #tpu.memory_space<hbm>>) dst(%arg11 : memref<20000xi32, #tpu.memory_space<vmem>>)
        tpu.yield
      }) : () -> ()
      "tpu.region"() ({
        %run_scoped3A = tpu.sem_alloc : memref<!tpu.dma_semaphore, #tpu.memory_space<semaphore_mem>>
        %dma_start3A = tpu.memref_slice %arg5[%mul3A_11] : memref<320000xf32, #tpu.memory_space<hbm>> -> memref<20000xf32, #tpu.memory_space<hbm>>
        %dma_start3A_67 = tpu.memref_slice %arg5[%mul3A_11] : memref<320000xf32, #tpu.memory_space<hbm>> -> memref<20000xf32, #tpu.memory_space<hbm>>
        tpu.enqueue_dma source(%dma_start3A_67 : memref<20000xf32, #tpu.memory_space<hbm>>) target(%arg12 : memref<20000xf32, #tpu.memory_space<vmem>>) target_semaphore(%run_scoped3A : memref<!tpu.dma_semaphore, #tpu.memory_space<semaphore_mem>>)
        %dma_wait3A = tpu.memref_slice %arg5[%mul3A_11] : memref<320000xf32, #tpu.memory_space<hbm>> -> memref<20000xf32, #tpu.memory_space<hbm>>
        %dma_wait3A_68 = tpu.memref_slice %arg5[%mul3A_11] : memref<320000xf32, #tpu.memory_space<hbm>> -> memref<20000xf32, #tpu.memory_space<hbm>>
        tpu.wait_dma2 semaphore(%run_scoped3A : memref<!tpu.dma_semaphore, #tpu.memory_space<semaphore_mem>>) src(%dma_wait3A_68 : memref<20000xf32, #tpu.memory_space<hbm>>) dst(%arg12 : memref<20000xf32, #tpu.memory_space<vmem>>)
        tpu.yield
      }) : () -> ()
      "tpu.region"() ({
        %run_scoped3A = tpu.sem_alloc : memref<!tpu.dma_semaphore, #tpu.memory_space<semaphore_mem>>
        tpu.enqueue_dma source(%arg6 : memref<16xf32, #tpu.memory_space<hbm>>) target(%arg13 : memref<16xf32, #tpu.memory_space<vmem>>) target_semaphore(%run_scoped3A : memref<!tpu.dma_semaphore, #tpu.memory_space<semaphore_mem>>)
        tpu.wait_dma2 semaphore(%run_scoped3A : memref<!tpu.dma_semaphore, #tpu.memory_space<semaphore_mem>>) src(%arg6 : memref<16xf32, #tpu.memory_space<hbm>>) dst(%arg13 : memref<16xf32, #tpu.memory_space<vmem>>)
        tpu.yield
      }) : () -> ()
      %barrier3A = arith.constant 0 : index
      tpu.barrier barrier_id(%barrier3A)
      %get3A = arith.constant 0 : index
      %get3A_12 = tpu.vector_load %arg13[%get3A] {strides = array<i32>} : memref<16xf32, #tpu.memory_space<vmem>>, vector<16xf32>,
      %slice3A = vector.extract_strided_slice %get3A_12 {offsets = [0], sizes = [1], strides = [1]} : vector<16xf32> to vector<1xf32>
      %squeeze3A = vector.extract %slice3A[0] : f32 from vector<1xf32>
      %slice3A_13 = vector.extract_strided_slice %get3A_12 {offsets = [1], sizes = [1], strides = [1]} : vector<16xf32> to vector<1xf32>
      %squeeze3A_14 = vector.extract %slice3A_13[0] : f32 from vector<1xf32>
      %slice3A_15 = vector.extract_strided_slice %get3A_12 {offsets = [2], sizes = [1], strides = [1]} : vector<16xf32> to vector<1xf32>
      %squeeze3A_16 = vector.extract %slice3A_15[0] : f32 from vector<1xf32>
      %slice3A_17 = vector.extract_strided_slice %get3A_12 {offsets = [3], sizes = [1], strides = [1]} : vector<16xf32> to vector<1xf32>
      %squeeze3A_18 = vector.extract %slice3A_17[0] : f32 from vector<1xf32>
      %scan3A_19 = arith.constant 0 : i32
      %scan3A_20 = arith.constant 0 : i32
      %scan3A_21 = arith.constant 250 : i32
      %scan3A_22 = arith.addi %scan3A_20, %scan3A_21 : i32
      %scan3A_23 = arith.constant 1 : i32
      scf.for %scan3A_67 = %scan3A_20 to %scan3A_22 step %scan3A_23  : i32 {
        %mul3A_68 = arith.constant 80 : i32
        %mul3A_69 = arith.muli %scan3A_67, %mul3A_68 : i32
        %add3A = arith.constant 0 : i32
        %add3A_70 = arith.addi %mul3A_69, %add3A : i32
        %get3A_71 = arith.index_cast %add3A_70 : i32 to index
        %get3A_72 = tpu.vector_load %arg10[%get3A_71] {strides = array<i32>} : memref<20000xi32, #tpu.memory_space<vmem>>, vector<16xi32>,
        %get3A_73 = arith.index_cast %add3A_70 : i32 to index
        %get3A_74 = tpu.vector_load %arg11[%get3A_73] {strides = array<i32>} : memref<20000xi32, #tpu.memory_space<vmem>>, vector<16xi32>,
        %get3A_75 = arith.index_cast %add3A_70 : i32 to index
        %get3A_76 = tpu.vector_load %arg12[%get3A_75] {strides = array<i32>} : memref<20000xf32, #tpu.memory_space<vmem>>, vector<16xf32>,
        %gather3A = tpu.vector_load_idx %arg9[%get3A_72] : memref<10000xf32, #tpu.memory_space<vmem>>[vector<16xi32>], vector<16xf32>,
        %gather3A_77 = tpu.vector_load_idx %arg9[%get3A_74] : memref<10000xf32, #tpu.memory_space<vmem>>[vector<16xi32>], vector<16xf32>,
        %mul3A_78 = vector.broadcast %squeeze3A : f32 to vector<16xf32>
        %mul3A_79 = arith.mulf %gather3A, %mul3A_78 : vector<16xf32>
        %mul3A_80 = vector.broadcast %squeeze3A_16 : f32 to vector<16xf32>
        %mul3A_81 = arith.mulf %gather3A_77, %mul3A_80 : vector<16xf32>
        %add3A_82 = arith.addf %mul3A_79, %mul3A_81 : vector<16xf32>
        %mul3A_83 = vector.broadcast %squeeze3A_14 : f32 to vector<16xf32>
        %mul3A_84 = arith.mulf %gather3A, %mul3A_83 : vector<16xf32>
        %mul3A_85 = vector.broadcast %squeeze3A_18 : f32 to vector<16xf32>
        %mul3A_86 = arith.mulf %gather3A_77, %mul3A_85 : vector<16xf32>
        %add3A_87 = arith.addf %mul3A_84, %mul3A_86 : vector<16xf32>
        %ge3A = arith.constant 0.000000e+00 : f32
        %ge3A_88 = vector.broadcast %ge3A : f32 to vector<16xf32>
        %ge3A_89 = arith.cmpf oge, %add3A_82, %ge3A_88 : vector<16xf32>
        %mul3A_90 = arith.constant 2.000000e-01 : f32
        %mul3A_91 = vector.broadcast %mul3A_90 : f32 to vector<16xf32>
        %mul3A_92 = arith.mulf %add3A_82, %mul3A_91 : vector<16xf32>
        %select_n3A = arith.select %ge3A_89, %add3A_82, %mul3A_92 : vector<16xi1>, vector<16xf32>
        %ge3A_93 = arith.constant 0.000000e+00 : f32
        %ge3A_94 = vector.broadcast %ge3A_93 : f32 to vector<16xf32>
        %ge3A_95 = arith.cmpf oge, %add3A_87, %ge3A_94 : vector<16xf32>
        %mul3A_96 = arith.constant 2.000000e-01 : f32
        %mul3A_97 = vector.broadcast %mul3A_96 : f32 to vector<16xf32>
        %mul3A_98 = arith.mulf %add3A_87, %mul3A_97 : vector<16xf32>
        %select_n3A_99 = arith.select %ge3A_95, %add3A_87, %mul3A_98 : vector<16xi1>, vector<16xf32>
        %mul3A_100 = arith.mulf %select_n3A, %get3A_76 : vector<16xf32>
        %sub3A = arith.constant 1.000000e+00 : f32
        %sub3A_101 = vector.broadcast %sub3A : f32 to vector<16xf32>
        %sub3A_102 = arith.subf %sub3A_101, %get3A_76 : vector<16xf32>
        %mul3A_103 = arith.mulf %select_n3A_99, %sub3A_102 : vector<16xf32>
        %add3A_104 = arith.addf %mul3A_100, %mul3A_103 : vector<16xf32>
        %exp3A = math.exp %add3A_104 : vector<16xf32>
        %swap3A = arith.index_cast %add3A_70 : i32 to index
        %swap3A_105 = tpu.vector_load %arg14[%swap3A] {strides = array<i32>} : memref<20000xf32, #tpu.memory_space<vmem>>, vector<16xf32>,
        tpu.vector_store %arg14[%swap3A], %exp3A {strides = array<i32>} : memref<20000xf32, #tpu.memory_space<vmem>>, vector<16xf32>,
        %mul3A_106 = arith.mulf %exp3A, %gather3A : vector<16xf32>
        %swap3A_107 = arith.index_cast %add3A_70 : i32 to index
        %swap3A_108 = tpu.vector_load %arg15[%swap3A_107] {strides = array<i32>} : memref<20000xf32, #tpu.memory_space<vmem>>, vector<16xf32>,
        tpu.vector_store %arg15[%swap3A_107], %mul3A_106 {strides = array<i32>} : memref<20000xf32, #tpu.memory_space<vmem>>, vector<16xf32>,
        %mul3A_109 = arith.constant 80 : i32
        %mul3A_110 = arith.muli %scan3A_67, %mul3A_109 : i32
        %add3A_111 = arith.constant 16 : i32
        %add3A_112 = arith.addi %mul3A_110, %add3A_111 : i32
        %get3A_113 = arith.index_cast %add3A_112 : i32 to index
        %get3A_114 = tpu.vector_load %arg10[%get3A_113] {strides = array<i32>} : memref<20000xi32, #tpu.memory_space<vmem>>, vector<16xi32>,
        %get3A_115 = arith.index_cast %add3A_112 : i32 to index
        %get3A_116 = tpu.vector_load %arg11[%get3A_115] {strides = array<i32>} : memref<20000xi32, #tpu.memory_space<vmem>>, vector<16xi32>,
        %get3A_117 = arith.index_cast %add3A_112 : i32 to index
        %get3A_118 = tpu.vector_load %arg12[%get3A_117] {strides = array<i32>} : memref<20000xf32, #tpu.memory_space<vmem>>, vector<16xf32>,
        %gather3A_119 = tpu.vector_load_idx %arg9[%get3A_114] : memref<10000xf32, #tpu.memory_space<vmem>>[vector<16xi32>], vector<16xf32>,
        %gather3A_120 = tpu.vector_load_idx %arg9[%get3A_116] : memref<10000xf32, #tpu.memory_space<vmem>>[vector<16xi32>], vector<16xf32>,
        %mul3A_121 = vector.broadcast %squeeze3A : f32 to vector<16xf32>
        %mul3A_122 = arith.mulf %gather3A_119, %mul3A_121 : vector<16xf32>
        %mul3A_123 = vector.broadcast %squeeze3A_16 : f32 to vector<16xf32>
        %mul3A_124 = arith.mulf %gather3A_120, %mul3A_123 : vector<16xf32>
        %add3A_125 = arith.addf %mul3A_122, %mul3A_124 : vector<16xf32>
        %mul3A_126 = vector.broadcast %squeeze3A_14 : f32 to vector<16xf32>
        %mul3A_127 = arith.mulf %gather3A_119, %mul3A_126 : vector<16xf32>
        %mul3A_128 = vector.broadcast %squeeze3A_18 : f32 to vector<16xf32>
        %mul3A_129 = arith.mulf %gather3A_120, %mul3A_128 : vector<16xf32>
        %add3A_130 = arith.addf %mul3A_127, %mul3A_129 : vector<16xf32>
        %ge3A_131 = arith.constant 0.000000e+00 : f32
        %ge3A_132 = vector.broadcast %ge3A_131 : f32 to vector<16xf32>
        %ge3A_133 = arith.cmpf oge, %add3A_125, %ge3A_132 : vector<16xf32>
        %mul3A_134 = arith.constant 2.000000e-01 : f32
        %mul3A_135 = vector.broadcast %mul3A_134 : f32 to vector<16xf32>
        %mul3A_136 = arith.mulf %add3A_125, %mul3A_135 : vector<16xf32>
        %select_n3A_137 = arith.select %ge3A_133, %add3A_125, %mul3A_136 : vector<16xi1>, vector<16xf32>
        %ge3A_138 = arith.constant 0.000000e+00 : f32
        %ge3A_139 = vector.broadcast %ge3A_138 : f32 to vector<16xf32>
        %ge3A_140 = arith.cmpf oge, %add3A_130, %ge3A_139 : vector<16xf32>
        %mul3A_141 = arith.constant 2.000000e-01 : f32
        %mul3A_142 = vector.broadcast %mul3A_141 : f32 to vector<16xf32>
        %mul3A_143 = arith.mulf %add3A_130, %mul3A_142 : vector<16xf32>
        %select_n3A_144 = arith.select %ge3A_140, %add3A_130, %mul3A_143 : vector<16xi1>, vector<16xf32>
        %mul3A_145 = arith.mulf %select_n3A_137, %get3A_118 : vector<16xf32>
        %sub3A_146 = arith.constant 1.000000e+00 : f32
        %sub3A_147 = vector.broadcast %sub3A_146 : f32 to vector<16xf32>
        %sub3A_148 = arith.subf %sub3A_147, %get3A_118 : vector<16xf32>
        %mul3A_149 = arith.mulf %select_n3A_144, %sub3A_148 : vector<16xf32>
        %add3A_150 = arith.addf %mul3A_145, %mul3A_149 : vector<16xf32>
        %exp3A_151 = math.exp %add3A_150 : vector<16xf32>
        %swap3A_152 = arith.index_cast %add3A_112 : i32 to index
        %swap3A_153 = tpu.vector_load %arg14[%swap3A_152] {strides = array<i32>} : memref<20000xf32, #tpu.memory_space<vmem>>, vector<16xf32>,
        tpu.vector_store %arg14[%swap3A_152], %exp3A_151 {strides = array<i32>} : memref<20000xf32, #tpu.memory_space<vmem>>, vector<16xf32>,
        %mul3A_154 = arith.mulf %exp3A_151, %gather3A_119 : vector<16xf32>
        %swap3A_155 = arith.index_cast %add3A_112 : i32 to index
        %swap3A_156 = tpu.vector_load %arg15[%swap3A_155] {strides = array<i32>} : memref<20000xf32, #tpu.memory_space<vmem>>, vector<16xf32>,
        tpu.vector_store %arg15[%swap3A_155], %mul3A_154 {strides = array<i32>} : memref<20000xf32, #tpu.memory_space<vmem>>, vector<16xf32>,
        %mul3A_157 = arith.constant 80 : i32
        %mul3A_158 = arith.muli %scan3A_67, %mul3A_157 : i32
        %add3A_159 = arith.constant 32 : i32
        %add3A_160 = arith.addi %mul3A_158, %add3A_159 : i32
        %get3A_161 = arith.index_cast %add3A_160 : i32 to index
        %get3A_162 = tpu.vector_load %arg10[%get3A_161] {strides = array<i32>} : memref<20000xi32, #tpu.memory_space<vmem>>, vector<16xi32>,
        %get3A_163 = arith.index_cast %add3A_160 : i32 to index
        %get3A_164 = tpu.vector_load %arg11[%get3A_163] {strides = array<i32>} : memref<20000xi32, #tpu.memory_space<vmem>>, vector<16xi32>,
        %get3A_165 = arith.index_cast %add3A_160 : i32 to index
        %get3A_166 = tpu.vector_load %arg12[%get3A_165] {strides = array<i32>} : memref<20000xf32, #tpu.memory_space<vmem>>, vector<16xf32>,
        %gather3A_167 = tpu.vector_load_idx %arg9[%get3A_162] : memref<10000xf32, #tpu.memory_space<vmem>>[vector<16xi32>], vector<16xf32>,
        %gather3A_168 = tpu.vector_load_idx %arg9[%get3A_164] : memref<10000xf32, #tpu.memory_space<vmem>>[vector<16xi32>], vector<16xf32>,
        %mul3A_169 = vector.broadcast %squeeze3A : f32 to vector<16xf32>
        %mul3A_170 = arith.mulf %gather3A_167, %mul3A_169 : vector<16xf32>
        %mul3A_171 = vector.broadcast %squeeze3A_16 : f32 to vector<16xf32>
        %mul3A_172 = arith.mulf %gather3A_168, %mul3A_171 : vector<16xf32>
        %add3A_173 = arith.addf %mul3A_170, %mul3A_172 : vector<16xf32>
        %mul3A_174 = vector.broadcast %squeeze3A_14 : f32 to vector<16xf32>
        %mul3A_175 = arith.mulf %gather3A_167, %mul3A_174 : vector<16xf32>
        %mul3A_176 = vector.broadcast %squeeze3A_18 : f32 to vector<16xf32>
        %mul3A_177 = arith.mulf %gather3A_168, %mul3A_176 : vector<16xf32>
        %add3A_178 = arith.addf %mul3A_175, %mul3A_177 : vector<16xf32>
        %ge3A_179 = arith.constant 0.000000e+00 : f32
        %ge3A_180 = vector.broadcast %ge3A_179 : f32 to vector<16xf32>
        %ge3A_181 = arith.cmpf oge, %add3A_173, %ge3A_180 : vector<16xf32>
        %mul3A_182 = arith.constant 2.000000e-01 : f32
        %mul3A_183 = vector.broadcast %mul3A_182 : f32 to vector<16xf32>
        %mul3A_184 = arith.mulf %add3A_173, %mul3A_183 : vector<16xf32>
        %select_n3A_185 = arith.select %ge3A_181, %add3A_173, %mul3A_184 : vector<16xi1>, vector<16xf32>
        %ge3A_186 = arith.constant 0.000000e+00 : f32
        %ge3A_187 = vector.broadcast %ge3A_186 : f32 to vector<16xf32>
        %ge3A_188 = arith.cmpf oge, %add3A_178, %ge3A_187 : vector<16xf32>
        %mul3A_189 = arith.constant 2.000000e-01 : f32
        %mul3A_190 = vector.broadcast %mul3A_189 : f32 to vector<16xf32>
        %mul3A_191 = arith.mulf %add3A_178, %mul3A_190 : vector<16xf32>
        %select_n3A_192 = arith.select %ge3A_188, %add3A_178, %mul3A_191 : vector<16xi1>, vector<16xf32>
        %mul3A_193 = arith.mulf %select_n3A_185, %get3A_166 : vector<16xf32>
        %sub3A_194 = arith.constant 1.000000e+00 : f32
        %sub3A_195 = vector.broadcast %sub3A_194 : f32 to vector<16xf32>
        %sub3A_196 = arith.subf %sub3A_195, %get3A_166 : vector<16xf32>
        %mul3A_197 = arith.mulf %select_n3A_192, %sub3A_196 : vector<16xf32>
        %add3A_198 = arith.addf %mul3A_193, %mul3A_197 : vector<16xf32>
        %exp3A_199 = math.exp %add3A_198 : vector<16xf32>
        %swap3A_200 = arith.index_cast %add3A_160 : i32 to index
        %swap3A_201 = tpu.vector_load %arg14[%swap3A_200] {strides = array<i32>} : memref<20000xf32, #tpu.memory_space<vmem>>, vector<16xf32>,
        tpu.vector_store %arg14[%swap3A_200], %exp3A_199 {strides = array<i32>} : memref<20000xf32, #tpu.memory_space<vmem>>, vector<16xf32>,
        %mul3A_202 = arith.mulf %exp3A_199, %gather3A_167 : vector<16xf32>
        %swap3A_203 = arith.index_cast %add3A_160 : i32 to index
        %swap3A_204 = tpu.vector_load %arg15[%swap3A_203] {strides = array<i32>} : memref<20000xf32, #tpu.memory_space<vmem>>, vector<16xf32>,
        tpu.vector_store %arg15[%swap3A_203], %mul3A_202 {strides = array<i32>} : memref<20000xf32, #tpu.memory_space<vmem>>, vector<16xf32>,
        %mul3A_205 = arith.constant 80 : i32
        %mul3A_206 = arith.muli %scan3A_67, %mul3A_205 : i32
        %add3A_207 = arith.constant 48 : i32
        %add3A_208 = arith.addi %mul3A_206, %add3A_207 : i32
        %get3A_209 = arith.index_cast %add3A_208 : i32 to index
        %get3A_210 = tpu.vector_load %arg10[%get3A_209] {strides = array<i32>} : memref<20000xi32, #tpu.memory_space<vmem>>, vector<16xi32>,
        %get3A_211 = arith.index_cast %add3A_208 : i32 to index
        %get3A_212 = tpu.vector_load %arg11[%get3A_211] {strides = array<i32>} : memref<20000xi32, #tpu.memory_space<vmem>>, vector<16xi32>,
        %get3A_213 = arith.index_cast %add3A_208 : i32 to index
        %get3A_214 = tpu.vector_load %arg12[%get3A_213] {strides = array<i32>} : memref<20000xf32, #tpu.memory_space<vmem>>, vector<16xf32>,
        %gather3A_215 = tpu.vector_load_idx %arg9[%get3A_210] : memref<10000xf32, #tpu.memory_space<vmem>>[vector<16xi32>], vector<16xf32>,
        %gather3A_216 = tpu.vector_load_idx %arg9[%get3A_212] : memref<10000xf32, #tpu.memory_space<vmem>>[vector<16xi32>], vector<16xf32>,
        %mul3A_217 = vector.broadcast %squeeze3A : f32 to vector<16xf32>
        %mul3A_218 = arith.mulf %gather3A_215, %mul3A_217 : vector<16xf32>
        %mul3A_219 = vector.broadcast %squeeze3A_16 : f32 to vector<16xf32>
        %mul3A_220 = arith.mulf %gather3A_216, %mul3A_219 : vector<16xf32>
        %add3A_221 = arith.addf %mul3A_218, %mul3A_220 : vector<16xf32>
        %mul3A_222 = vector.broadcast %squeeze3A_14 : f32 to vector<16xf32>
        %mul3A_223 = arith.mulf %gather3A_215, %mul3A_222 : vector<16xf32>
        %mul3A_224 = vector.broadcast %squeeze3A_18 : f32 to vector<16xf32>
        %mul3A_225 = arith.mulf %gather3A_216, %mul3A_224 : vector<16xf32>
        %add3A_226 = arith.addf %mul3A_223, %mul3A_225 : vector<16xf32>
        %ge3A_227 = arith.constant 0.000000e+00 : f32
        %ge3A_228 = vector.broadcast %ge3A_227 : f32 to vector<16xf32>
        %ge3A_229 = arith.cmpf oge, %add3A_221, %ge3A_228 : vector<16xf32>
        %mul3A_230 = arith.constant 2.000000e-01 : f32
        %mul3A_231 = vector.broadcast %mul3A_230 : f32 to vector<16xf32>
        %mul3A_232 = arith.mulf %add3A_221, %mul3A_231 : vector<16xf32>
        %select_n3A_233 = arith.select %ge3A_229, %add3A_221, %mul3A_232 : vector<16xi1>, vector<16xf32>
        %ge3A_234 = arith.constant 0.000000e+00 : f32
        %ge3A_235 = vector.broadcast %ge3A_234 : f32 to vector<16xf32>
        %ge3A_236 = arith.cmpf oge, %add3A_226, %ge3A_235 : vector<16xf32>
        %mul3A_237 = arith.constant 2.000000e-01 : f32
        %mul3A_238 = vector.broadcast %mul3A_237 : f32 to vector<16xf32>
        %mul3A_239 = arith.mulf %add3A_226, %mul3A_238 : vector<16xf32>
        %select_n3A_240 = arith.select %ge3A_236, %add3A_226, %mul3A_239 : vector<16xi1>, vector<16xf32>
        %mul3A_241 = arith.mulf %select_n3A_233, %get3A_214 : vector<16xf32>
        %sub3A_242 = arith.constant 1.000000e+00 : f32
        %sub3A_243 = vector.broadcast %sub3A_242 : f32 to vector<16xf32>
        %sub3A_244 = arith.subf %sub3A_243, %get3A_214 : vector<16xf32>
        %mul3A_245 = arith.mulf %select_n3A_240, %sub3A_244 : vector<16xf32>
        %add3A_246 = arith.addf %mul3A_241, %mul3A_245 : vector<16xf32>
        %exp3A_247 = math.exp %add3A_246 : vector<16xf32>
        %swap3A_248 = arith.index_cast %add3A_208 : i32 to index
        %swap3A_249 = tpu.vector_load %arg14[%swap3A_248] {strides = array<i32>} : memref<20000xf32, #tpu.memory_space<vmem>>, vector<16xf32>,
        tpu.vector_store %arg14[%swap3A_248], %exp3A_247 {strides = array<i32>} : memref<20000xf32, #tpu.memory_space<vmem>>, vector<16xf32>,
        %mul3A_250 = arith.mulf %exp3A_247, %gather3A_215 : vector<16xf32>
        %swap3A_251 = arith.index_cast %add3A_208 : i32 to index
        %swap3A_252 = tpu.vector_load %arg15[%swap3A_251] {strides = array<i32>} : memref<20000xf32, #tpu.memory_space<vmem>>, vector<16xf32>,
        tpu.vector_store %arg15[%swap3A_251], %mul3A_250 {strides = array<i32>} : memref<20000xf32, #tpu.memory_space<vmem>>, vector<16xf32>,
        %mul3A_253 = arith.constant 80 : i32
        %mul3A_254 = arith.muli %scan3A_67, %mul3A_253 : i32
        %add3A_255 = arith.constant 64 : i32
        %add3A_256 = arith.addi %mul3A_254, %add3A_255 : i32
        %get3A_257 = arith.index_cast %add3A_256 : i32 to index
        %get3A_258 = tpu.vector_load %arg10[%get3A_257] {strides = array<i32>} : memref<20000xi32, #tpu.memory_space<vmem>>, vector<16xi32>,
        %get3A_259 = arith.index_cast %add3A_256 : i32 to index
        %get3A_260 = tpu.vector_load %arg11[%get3A_259] {strides = array<i32>} : memref<20000xi32, #tpu.memory_space<vmem>>, vector<16xi32>,
        %get3A_261 = arith.index_cast %add3A_256 : i32 to index
        %get3A_262 = tpu.vector_load %arg12[%get3A_261] {strides = array<i32>} : memref<20000xf32, #tpu.memory_space<vmem>>, vector<16xf32>,
        %gather3A_263 = tpu.vector_load_idx %arg9[%get3A_258] : memref<10000xf32, #tpu.memory_space<vmem>>[vector<16xi32>], vector<16xf32>,
        %gather3A_264 = tpu.vector_load_idx %arg9[%get3A_260] : memref<10000xf32, #tpu.memory_space<vmem>>[vector<16xi32>], vector<16xf32>,
        %mul3A_265 = vector.broadcast %squeeze3A : f32 to vector<16xf32>
        %mul3A_266 = arith.mulf %gather3A_263, %mul3A_265 : vector<16xf32>
        %mul3A_267 = vector.broadcast %squeeze3A_16 : f32 to vector<16xf32>
        %mul3A_268 = arith.mulf %gather3A_264, %mul3A_267 : vector<16xf32>
        %add3A_269 = arith.addf %mul3A_266, %mul3A_268 : vector<16xf32>
        %mul3A_270 = vector.broadcast %squeeze3A_14 : f32 to vector<16xf32>
        %mul3A_271 = arith.mulf %gather3A_263, %mul3A_270 : vector<16xf32>
        %mul3A_272 = vector.broadcast %squeeze3A_18 : f32 to vector<16xf32>
        %mul3A_273 = arith.mulf %gather3A_264, %mul3A_272 : vector<16xf32>
        %add3A_274 = arith.addf %mul3A_271, %mul3A_273 : vector<16xf32>
        %ge3A_275 = arith.constant 0.000000e+00 : f32
        %ge3A_276 = vector.broadcast %ge3A_275 : f32 to vector<16xf32>
        %ge3A_277 = arith.cmpf oge, %add3A_269, %ge3A_276 : vector<16xf32>
        %mul3A_278 = arith.constant 2.000000e-01 : f32
        %mul3A_279 = vector.broadcast %mul3A_278 : f32 to vector<16xf32>
        %mul3A_280 = arith.mulf %add3A_269, %mul3A_279 : vector<16xf32>
        %select_n3A_281 = arith.select %ge3A_277, %add3A_269, %mul3A_280 : vector<16xi1>, vector<16xf32>
        %ge3A_282 = arith.constant 0.000000e+00 : f32
        %ge3A_283 = vector.broadcast %ge3A_282 : f32 to vector<16xf32>
        %ge3A_284 = arith.cmpf oge, %add3A_274, %ge3A_283 : vector<16xf32>
        %mul3A_285 = arith.constant 2.000000e-01 : f32
        %mul3A_286 = vector.broadcast %mul3A_285 : f32 to vector<16xf32>
        %mul3A_287 = arith.mulf %add3A_274, %mul3A_286 : vector<16xf32>
        %select_n3A_288 = arith.select %ge3A_284, %add3A_274, %mul3A_287 : vector<16xi1>, vector<16xf32>
        %mul3A_289 = arith.mulf %select_n3A_281, %get3A_262 : vector<16xf32>
        %sub3A_290 = arith.constant 1.000000e+00 : f32
        %sub3A_291 = vector.broadcast %sub3A_290 : f32 to vector<16xf32>
        %sub3A_292 = arith.subf %sub3A_291, %get3A_262 : vector<16xf32>
        %mul3A_293 = arith.mulf %select_n3A_288, %sub3A_292 : vector<16xf32>
        %add3A_294 = arith.addf %mul3A_289, %mul3A_293 : vector<16xf32>
        %exp3A_295 = math.exp %add3A_294 : vector<16xf32>
        %swap3A_296 = arith.index_cast %add3A_256 : i32 to index
        %swap3A_297 = tpu.vector_load %arg14[%swap3A_296] {strides = array<i32>} : memref<20000xf32, #tpu.memory_space<vmem>>, vector<16xf32>,
        tpu.vector_store %arg14[%swap3A_296], %exp3A_295 {strides = array<i32>} : memref<20000xf32, #tpu.memory_space<vmem>>, vector<16xf32>,
        %mul3A_298 = arith.mulf %exp3A_295, %gather3A_263 : vector<16xf32>
        %swap3A_299 = arith.index_cast %add3A_256 : i32 to index
        %swap3A_300 = tpu.vector_load %arg15[%swap3A_299] {strides = array<i32>} : memref<20000xf32, #tpu.memory_space<vmem>>, vector<16xf32>,
        tpu.vector_store %arg15[%swap3A_299], %mul3A_298 {strides = array<i32>} : memref<20000xf32, #tpu.memory_space<vmem>>, vector<16xf32>,
      }
      %scan3A_24 = arith.constant 250 : i32
      %scan3A_25 = arith.constant 0 : i32
      %scan3A_26 = arith.constant 0 : i32
      %scan3A_27 = arith.constant 250 : i32
      %scan3A_28 = arith.addi %scan3A_26, %scan3A_27 : i32
      %scan3A_29 = arith.constant 1 : i32
      scf.for %scan3A_67 = %scan3A_26 to %scan3A_28 step %scan3A_29  : i32 {
        %mul3A_68 = arith.constant 80 : i32
        %mul3A_69 = arith.muli %scan3A_67, %mul3A_68 : i32
        %dma_start3A = tpu.memref_slice %arg14[%mul3A_69] : memref<20000xf32, #tpu.memory_space<vmem>> -> memref<80xf32, #tpu.memory_space<vmem>>
        %dma_start3A_70 = tpu.memref_slice %arg11[%mul3A_69] : memref<20000xi32, #tpu.memory_space<vmem>> -> memref<80xi32, #tpu.memory_space<vmem>>
        %dma_start3A_71 = arith.constant 0 : i32
        %dma_start3A_72 = tpu.memref_slice %arg19[%dma_start3A_71] : memref<10240xf32, #tpu.memory_space<vmem_shared>> -> memref<10240xf32, #tpu.memory_space<vmem_shared>>
        tpu.enqueue_indirect_dma source(%dma_start3A : memref<80xf32, #tpu.memory_space<vmem>>) target(%dma_start3A_72 : memref<10240xf32, #tpu.memory_space<vmem_shared>>) offsets(%dma_start3A_70 : memref<80xi32, #tpu.memory_space<vmem>>) semaphore(%arg21 : memref<!tpu.dma_semaphore, #tpu.memory_space<semaphore_mem>>) {add = true}
        %dma_start3A_73 = tpu.memref_slice %arg15[%mul3A_69] : memref<20000xf32, #tpu.memory_space<vmem>> -> memref<80xf32, #tpu.memory_space<vmem>>
        %dma_start3A_74 = tpu.memref_slice %arg11[%mul3A_69] : memref<20000xi32, #tpu.memory_space<vmem>> -> memref<80xi32, #tpu.memory_space<vmem>>
        %dma_start3A_75 = arith.constant 0 : i32
        %dma_start3A_76 = tpu.memref_slice %arg20[%dma_start3A_75] : memref<10240xf32, #tpu.memory_space<vmem_shared>> -> memref<10240xf32, #tpu.memory_space<vmem_shared>>
        tpu.enqueue_indirect_dma source(%dma_start3A_73 : memref<80xf32, #tpu.memory_space<vmem>>) target(%dma_start3A_76 : memref<10240xf32, #tpu.memory_space<vmem_shared>>) offsets(%dma_start3A_74 : memref<80xi32, #tpu.memory_space<vmem>>) semaphore(%arg22 : memref<!tpu.dma_semaphore, #tpu.memory_space<semaphore_mem>>) {add = true}
      }
      %scan3A_30 = arith.constant 250 : i32
      %scan3A_31 = arith.constant 0 : i32
      %scan3A_32 = arith.constant 0 : i32
      %scan3A_33 = arith.constant 250 : i32
      %scan3A_34 = arith.addi %scan3A_32, %scan3A_33 : i32
      %scan3A_35 = arith.constant 1 : i32
      scf.for %scan3A_67 = %scan3A_32 to %scan3A_34 step %scan3A_35  : i32 {
        %dma_wait3A = arith.constant 0 : i32
        %dma_wait3A_68 = tpu.memref_slice %arg14[%dma_wait3A] : memref<20000xf32, #tpu.memory_space<vmem>> -> memref<80xf32, #tpu.memory_space<vmem>>
        %dma_wait3A_69 = arith.constant 0 : i32
        %dma_wait3A_70 = tpu.memref_slice %arg11[%dma_wait3A_69] : memref<20000xi32, #tpu.memory_space<vmem>> -> memref<80xi32, #tpu.memory_space<vmem>>
        %dma_wait3A_71 = arith.constant 0 : i32
        %dma_wait3A_72 = tpu.memref_slice %arg19[%dma_wait3A_71] : memref<10240xf32, #tpu.memory_space<vmem_shared>> -> memref<10240xf32, #tpu.memory_space<vmem_shared>>
        tpu.wait_indirect_dma semaphore(%arg21 : memref<!tpu.dma_semaphore, #tpu.memory_space<semaphore_mem>>) src(%dma_wait3A_68 : memref<80xf32, #tpu.memory_space<vmem>>) dst(%dma_wait3A_72 : memref<10240xf32, #tpu.memory_space<vmem_shared>>)
        %dma_wait3A_73 = arith.constant 0 : i32
        %dma_wait3A_74 = tpu.memref_slice %arg15[%dma_wait3A_73] : memref<20000xf32, #tpu.memory_space<vmem>> -> memref<80xf32, #tpu.memory_space<vmem>>
        %dma_wait3A_75 = arith.constant 0 : i32
        %dma_wait3A_76 = tpu.memref_slice %arg11[%dma_wait3A_75] : memref<20000xi32, #tpu.memory_space<vmem>> -> memref<80xi32, #tpu.memory_space<vmem>>
        %dma_wait3A_77 = arith.constant 0 : i32
        %dma_wait3A_78 = tpu.memref_slice %arg20[%dma_wait3A_77] : memref<10240xf32, #tpu.memory_space<vmem_shared>> -> memref<10240xf32, #tpu.memory_space<vmem_shared>>
        tpu.wait_indirect_dma semaphore(%arg22 : memref<!tpu.dma_semaphore, #tpu.memory_space<semaphore_mem>>) src(%dma_wait3A_74 : memref<80xf32, #tpu.memory_space<vmem>>) dst(%dma_wait3A_78 : memref<10240xf32, #tpu.memory_space<vmem_shared>>)
      }
      %scan3A_36 = arith.constant 250 : i32
      %barrier3A_37 = arith.constant 0 : index
      tpu.barrier barrier_id(%barrier3A_37)
      "tpu.region"() ({
        %run_scoped3A = tpu.sem_alloc : memref<!tpu.dma_semaphore, #tpu.memory_space<semaphore_mem>>
        tpu.enqueue_dma source(%arg19 : memref<10240xf32, #tpu.memory_space<vmem_shared>>) target(%arg16 : memref<10240xf32, #tpu.memory_space<vmem>>) target_semaphore(%run_scoped3A : memref<!tpu.dma_semaphore, #tpu.memory_space<semaphore_mem>>)
        tpu.wait_dma2 semaphore(%run_scoped3A : memref<!tpu.dma_semaphore, #tpu.memory_space<semaphore_mem>>) src(%arg19 : memref<10240xf32, #tpu.memory_space<vmem_shared>>) dst(%arg16 : memref<10240xf32, #tpu.memory_space<vmem>>)
        tpu.yield
      }) : () -> ()
      %mul3A_38 = arith.constant 640 : i32
      %mul3A_39 = arith.muli %arg1, %mul3A_38 : i32
      "tpu.region"() ({
        %run_scoped3A = tpu.sem_alloc : memref<!tpu.dma_semaphore, #tpu.memory_space<semaphore_mem>>
        %dma_start3A = tpu.memref_slice %arg20[%mul3A_39] : memref<10240xf32, #tpu.memory_space<vmem_shared>> -> memref<640xf32, #tpu.memory_space<vmem_shared>>
        %dma_start3A_67 = tpu.memref_slice %arg20[%mul3A_39] : memref<10240xf32, #tpu.memory_space<vmem_shared>> -> memref<640xf32, #tpu.memory_space<vmem_shared>>
        tpu.enqueue_dma source(%dma_start3A_67 : memref<640xf32, #tpu.memory_space<vmem_shared>>) target(%arg17 : memref<640xf32, #tpu.memory_space<vmem>>) target_semaphore(%run_scoped3A : memref<!tpu.dma_semaphore, #tpu.memory_space<semaphore_mem>>)
        %dma_wait3A = tpu.memref_slice %arg20[%mul3A_39] : memref<10240xf32, #tpu.memory_space<vmem_shared>> -> memref<640xf32, #tpu.memory_space<vmem_shared>>
        %dma_wait3A_68 = tpu.memref_slice %arg20[%mul3A_39] : memref<10240xf32, #tpu.memory_space<vmem_shared>> -> memref<640xf32, #tpu.memory_space<vmem_shared>>
        tpu.wait_dma2 semaphore(%run_scoped3A : memref<!tpu.dma_semaphore, #tpu.memory_space<semaphore_mem>>) src(%dma_wait3A_68 : memref<640xf32, #tpu.memory_space<vmem_shared>>) dst(%arg17 : memref<640xf32, #tpu.memory_space<vmem>>)
        tpu.yield
      }) : () -> ()
      %scan3A_40 = arith.constant 0 : i32
      %scan3A_41 = arith.constant 0 : i32
      %scan3A_42 = arith.constant 640 : i32
      %scan3A_43 = arith.addi %scan3A_41, %scan3A_42 : i32
      %scan3A_44 = arith.constant 1 : i32
      scf.for %scan3A_67 = %scan3A_41 to %scan3A_43 step %scan3A_44  : i32 {
        %mul3A_68 = arith.constant 16 : i32
        %mul3A_69 = arith.muli %scan3A_67, %mul3A_68 : i32
        %get3A_70 = arith.index_cast %mul3A_69 : i32 to index
        %get3A_71 = tpu.vector_load %arg16[%get3A_70] {strides = array<i32>} : memref<10240xf32, #tpu.memory_space<vmem>>, vector<16xf32>,
        %add3A = arith.constant 1.000000e-16 : f32
        %add3A_72 = vector.broadcast %add3A : f32 to vector<16xf32>
        %add3A_73 = arith.addf %get3A_71, %add3A_72 : vector<16xf32>
        %div3A = arith.constant 1.000000e+00 : f32
        %div3A_74 = vector.broadcast %div3A : f32 to vector<16xf32>
        %div3A_75 = arith.divf %div3A_74, %add3A_73 : vector<16xf32>
        %swap3A = arith.index_cast %mul3A_69 : i32 to index
        %swap3A_76 = tpu.vector_load %arg16[%swap3A] {strides = array<i32>} : memref<10240xf32, #tpu.memory_space<vmem>>, vector<16xf32>,
        tpu.vector_store %arg16[%swap3A], %div3A_75 {strides = array<i32>} : memref<10240xf32, #tpu.memory_space<vmem>>, vector<16xf32>,
      }
      %scan3A_45 = arith.constant 640 : i32
      %scan3A_46 = arith.constant 0 : i32
      %scan3A_47 = arith.constant 0 : i32
      %scan3A_48 = arith.constant 40 : i32
      %scan3A_49 = arith.addi %scan3A_47, %scan3A_48 : i32
      %scan3A_50 = arith.constant 1 : i32
      scf.for %scan3A_67 = %scan3A_47 to %scan3A_49 step %scan3A_50  : i32 {
        %mul3A_68 = arith.constant 16 : i32
        %mul3A_69 = arith.muli %scan3A_67, %mul3A_68 : i32
        %get3A_70 = arith.index_cast %mul3A_69 : i32 to index
        %get3A_71 = tpu.vector_load %arg17[%get3A_70] {strides = array<i32>} : memref<640xf32, #tpu.memory_space<vmem>>, vector<16xf32>,
        %mul3A_72 = arith.constant 16 : i32
        %mul3A_73 = arith.muli %scan3A_67, %mul3A_72 : i32
        %add3A = arith.addi %mul3A_39, %mul3A_73 : i32
        %get3A_74 = arith.index_cast %add3A : i32 to index
        %get3A_75 = tpu.vector_load %arg16[%get3A_74] {strides = array<i32>} : memref<10240xf32, #tpu.memory_space<vmem>>, vector<16xf32>,
        %mul3A_76 = arith.mulf %get3A_71, %get3A_75 : vector<16xf32>
        %swap3A = arith.index_cast %mul3A_69 : i32 to index
        %swap3A_77 = tpu.vector_load %arg18[%swap3A] {strides = array<i32>} : memref<640xf32, #tpu.memory_space<vmem>>, vector<16xf32>,
        tpu.vector_store %arg18[%swap3A], %mul3A_76 {strides = array<i32>} : memref<640xf32, #tpu.memory_space<vmem>>, vector<16xf32>,
      }
      %scan3A_51 = arith.constant 40 : i32
      %lt3A = arith.constant 15 : i32
      %lt3A_52 = arith.cmpi slt, %arg1, %lt3A : i32
      %convert_element_type3A_53 = arith.extui %lt3A_52 : i1 to i32
      %cond3A_54 = arith.constant 0 : i32
      %cond3A_55 = arith.cmpi ne, %convert_element_type3A_53, %cond3A_54 : i32
      scf.if %cond3A_55 {
        "tpu.region"() ({
          %run_scoped3A = tpu.sem_alloc : memref<!tpu.dma_semaphore, #tpu.memory_space<semaphore_mem>>
          %dma_start3A = tpu.memref_slice %arg7[%mul3A_39] : memref<10000xf32, #tpu.memory_space<hbm>> -> memref<640xf32, #tpu.memory_space<hbm>>
          %dma_start3A_67 = tpu.memref_slice %arg7[%mul3A_39] : memref<10000xf32, #tpu.memory_space<hbm>> -> memref<640xf32, #tpu.memory_space<hbm>>
          tpu.enqueue_dma source(%arg18 : memref<640xf32, #tpu.memory_space<vmem>>) target(%dma_start3A_67 : memref<640xf32, #tpu.memory_space<hbm>>) target_semaphore(%run_scoped3A : memref<!tpu.dma_semaphore, #tpu.memory_space<semaphore_mem>>)
          %dma_wait3A = tpu.memref_slice %arg7[%mul3A_39] : memref<10000xf32, #tpu.memory_space<hbm>> -> memref<640xf32, #tpu.memory_space<hbm>>
          %dma_wait3A_68 = tpu.memref_slice %arg7[%mul3A_39] : memref<10000xf32, #tpu.memory_space<hbm>> -> memref<640xf32, #tpu.memory_space<hbm>>
          tpu.wait_dma2 semaphore(%run_scoped3A : memref<!tpu.dma_semaphore, #tpu.memory_space<semaphore_mem>>) src(%arg18 : memref<640xf32, #tpu.memory_space<vmem>>) dst(%dma_wait3A_68 : memref<640xf32, #tpu.memory_space<hbm>>)
          tpu.yield
        }) : () -> ()
      } else {
      }
      %eq3A_56 = arith.constant 15 : i32
      %eq3A_57 = arith.cmpi eq, %arg1, %eq3A_56 : i32
      %convert_element_type3A_58 = arith.extui %eq3A_57 : i1 to i32
      %cond3A_59 = arith.constant 0 : i32
      %cond3A_60 = arith.cmpi ne, %convert_element_type3A_58, %cond3A_59 : i32
      scf.if %cond3A_60 {
        "tpu.region"() ({
          %run_scoped3A = tpu.sem_alloc : memref<!tpu.dma_semaphore, #tpu.memory_space<semaphore_mem>>
          %dma_start3A = arith.constant 0 : i32
          %dma_start3A_67 = tpu.memref_slice %arg18[%dma_start3A] : memref<640xf32, #tpu.memory_space<vmem>> -> memref<400xf32, #tpu.memory_space<vmem>>
          %dma_start3A_68 = arith.constant 9600 : i32
          %dma_start3A_69 = tpu.memref_slice %arg7[%dma_start3A_68] : memref<10000xf32, #tpu.memory_space<hbm>> -> memref<400xf32, #tpu.memory_space<hbm>>
          %dma_start3A_70 = arith.constant 9600 : i32
          %dma_start3A_71 = tpu.memref_slice %arg7[%dma_start3A_70] : memref<10000xf32, #tpu.memory_space<hbm>> -> memref<400xf32, #tpu.memory_space<hbm>>
          %dma_start3A_72 = arith.constant 0 : i32
          %dma_start3A_73 = tpu.memref_slice %arg18[%dma_start3A_72] : memref<640xf32, #tpu.memory_space<vmem>> -> memref<400xf32, #tpu.memory_space<vmem>>
          tpu.enqueue_dma source(%dma_start3A_73 : memref<400xf32, #tpu.memory_space<vmem>>) target(%dma_start3A_71 : memref<400xf32, #tpu.memory_space<hbm>>) target_semaphore(%run_scoped3A : memref<!tpu.dma_semaphore, #tpu.memory_space<semaphore_mem>>)
          %dma_wait3A = arith.constant 0 : i32
          %dma_wait3A_74 = tpu.memref_slice %arg18[%dma_wait3A] : memref<640xf32, #tpu.memory_space<vmem>> -> memref<400xf32, #tpu.memory_space<vmem>>
          %dma_wait3A_75 = arith.constant 9600 : i32
          %dma_wait3A_76 = tpu.memref_slice %arg7[%dma_wait3A_75] : memref<10000xf32, #tpu.memory_space<hbm>> -> memref<400xf32, #tpu.memory_space<hbm>>
          %dma_wait3A_77 = arith.constant 9600 : i32
          %dma_wait3A_78 = tpu.memref_slice %arg7[%dma_wait3A_77] : memref<10000xf32, #tpu.memory_space<hbm>> -> memref<400xf32, #tpu.memory_space<hbm>>
          %dma_wait3A_79 = arith.constant 0 : i32
          %dma_wait3A_80 = tpu.memref_slice %arg18[%dma_wait3A_79] : memref<640xf32, #tpu.memory_space<vmem>> -> memref<400xf32, #tpu.memory_space<vmem>>
          tpu.wait_dma2 semaphore(%run_scoped3A : memref<!tpu.dma_semaphore, #tpu.memory_space<semaphore_mem>>) src(%dma_wait3A_80 : memref<400xf32, #tpu.memory_space<vmem>>) dst(%dma_wait3A_78 : memref<400xf32, #tpu.memory_space<hbm>>)
          tpu.yield
        }) : () -> ()
      } else {
      }
      %scan3A_61 = arith.constant 0 : i32
      %scan3A_62 = arith.constant 0 : i32
      %scan3A_63 = arith.constant 250 : i32
      %scan3A_64 = arith.addi %scan3A_62, %scan3A_63 : i32
      %scan3A_65 = arith.constant 1 : i32
      scf.for %scan3A_67 = %scan3A_62 to %scan3A_64 step %scan3A_65  : i32 {
        %mul3A_68 = arith.constant 80 : i32
        %mul3A_69 = arith.muli %scan3A_67, %mul3A_68 : i32
        %add3A = arith.constant 0 : i32
        %add3A_70 = arith.addi %mul3A_69, %add3A : i32
        %get3A_71 = arith.index_cast %add3A_70 : i32 to index
        %get3A_72 = tpu.vector_load %arg11[%get3A_71] {strides = array<i32>} : memref<20000xi32, #tpu.memory_space<vmem>>, vector<16xi32>,
        %gather3A = tpu.vector_load_idx %arg16[%get3A_72] : memref<10240xf32, #tpu.memory_space<vmem>>[vector<16xi32>], vector<16xf32>,
        %get3A_73 = arith.index_cast %add3A_70 : i32 to index
        %get3A_74 = tpu.vector_load %arg14[%get3A_73] {strides = array<i32>} : memref<20000xf32, #tpu.memory_space<vmem>>, vector<16xf32>,
        %mul3A_75 = arith.mulf %get3A_74, %gather3A : vector<16xf32>
        %swap3A = arith.index_cast %add3A_70 : i32 to index
        %swap3A_76 = tpu.vector_load %arg15[%swap3A] {strides = array<i32>} : memref<20000xf32, #tpu.memory_space<vmem>>, vector<16xf32>,
        tpu.vector_store %arg15[%swap3A], %mul3A_75 {strides = array<i32>} : memref<20000xf32, #tpu.memory_space<vmem>>, vector<16xf32>,
        %mul3A_77 = arith.constant 80 : i32
        %mul3A_78 = arith.muli %scan3A_67, %mul3A_77 : i32
        %add3A_79 = arith.constant 16 : i32
        %add3A_80 = arith.addi %mul3A_78, %add3A_79 : i32
        %get3A_81 = arith.index_cast %add3A_80 : i32 to index
        %get3A_82 = tpu.vector_load %arg11[%get3A_81] {strides = array<i32>} : memref<20000xi32, #tpu.memory_space<vmem>>, vector<16xi32>,
        %gather3A_83 = tpu.vector_load_idx %arg16[%get3A_82] : memref<10240xf32, #tpu.memory_space<vmem>>[vector<16xi32>], vector<16xf32>,
        %get3A_84 = arith.index_cast %add3A_80 : i32 to index
        %get3A_85 = tpu.vector_load %arg14[%get3A_84] {strides = array<i32>} : memref<20000xf32, #tpu.memory_space<vmem>>, vector<16xf32>,
        %mul3A_86 = arith.mulf %get3A_85, %gather3A_83 : vector<16xf32>
        %swap3A_87 = arith.index_cast %add3A_80 : i32 to index
        %swap3A_88 = tpu.vector_load %arg15[%swap3A_87] {strides = array<i32>} : memref<20000xf32, #tpu.memory_space<vmem>>, vector<16xf32>,
        tpu.vector_store %arg15[%swap3A_87], %mul3A_86 {strides = array<i32>} : memref<20000xf32, #tpu.memory_space<vmem>>, vector<16xf32>,
        %mul3A_89 = arith.constant 80 : i32
        %mul3A_90 = arith.muli %scan3A_67, %mul3A_89 : i32
        %add3A_91 = arith.constant 32 : i32
        %add3A_92 = arith.addi %mul3A_90, %add3A_91 : i32
        %get3A_93 = arith.index_cast %add3A_92 : i32 to index
        %get3A_94 = tpu.vector_load %arg11[%get3A_93] {strides = array<i32>} : memref<20000xi32, #tpu.memory_space<vmem>>, vector<16xi32>,
        %gather3A_95 = tpu.vector_load_idx %arg16[%get3A_94] : memref<10240xf32, #tpu.memory_space<vmem>>[vector<16xi32>], vector<16xf32>,
        %get3A_96 = arith.index_cast %add3A_92 : i32 to index
        %get3A_97 = tpu.vector_load %arg14[%get3A_96] {strides = array<i32>} : memref<20000xf32, #tpu.memory_space<vmem>>, vector<16xf32>,
        %mul3A_98 = arith.mulf %get3A_97, %gather3A_95 : vector<16xf32>
        %swap3A_99 = arith.index_cast %add3A_92 : i32 to index
        %swap3A_100 = tpu.vector_load %arg15[%swap3A_99] {strides = array<i32>} : memref<20000xf32, #tpu.memory_space<vmem>>, vector<16xf32>,
        tpu.vector_store %arg15[%swap3A_99], %mul3A_98 {strides = array<i32>} : memref<20000xf32, #tpu.memory_space<vmem>>, vector<16xf32>,
        %mul3A_101 = arith.constant 80 : i32
        %mul3A_102 = arith.muli %scan3A_67, %mul3A_101 : i32
        %add3A_103 = arith.constant 48 : i32
        %add3A_104 = arith.addi %mul3A_102, %add3A_103 : i32
        %get3A_105 = arith.index_cast %add3A_104 : i32 to index
        %get3A_106 = tpu.vector_load %arg11[%get3A_105] {strides = array<i32>} : memref<20000xi32, #tpu.memory_space<vmem>>, vector<16xi32>,
        %gather3A_107 = tpu.vector_load_idx %arg16[%get3A_106] : memref<10240xf32, #tpu.memory_space<vmem>>[vector<16xi32>], vector<16xf32>,
        %get3A_108 = arith.index_cast %add3A_104 : i32 to index
        %get3A_109 = tpu.vector_load %arg14[%get3A_108] {strides = array<i32>} : memref<20000xf32, #tpu.memory_space<vmem>>, vector<16xf32>,
        %mul3A_110 = arith.mulf %get3A_109, %gather3A_107 : vector<16xf32>
        %swap3A_111 = arith.index_cast %add3A_104 : i32 to index
        %swap3A_112 = tpu.vector_load %arg15[%swap3A_111] {strides = array<i32>} : memref<20000xf32, #tpu.memory_space<vmem>>, vector<16xf32>,
        tpu.vector_store %arg15[%swap3A_111], %mul3A_110 {strides = array<i32>} : memref<20000xf32, #tpu.memory_space<vmem>>, vector<16xf32>,
        %mul3A_113 = arith.constant 80 : i32
        %mul3A_114 = arith.muli %scan3A_67, %mul3A_113 : i32
        %add3A_115 = arith.constant 64 : i32
        %add3A_116 = arith.addi %mul3A_114, %add3A_115 : i32
        %get3A_117 = arith.index_cast %add3A_116 : i32 to index
        %get3A_118 = tpu.vector_load %arg11[%get3A_117] {strides = array<i32>} : memref<20000xi32, #tpu.memory_space<vmem>>, vector<16xi32>,
        %gather3A_119 = tpu.vector_load_idx %arg16[%get3A_118] : memref<10240xf32, #tpu.memory_space<vmem>>[vector<16xi32>], vector<16xf32>,
        %get3A_120 = arith.index_cast %add3A_116 : i32 to index
        %get3A_121 = tpu.vector_load %arg14[%get3A_120] {strides = array<i32>} : memref<20000xf32, #tpu.memory_space<vmem>>, vector<16xf32>,
        %mul3A_122 = arith.mulf %get3A_121, %gather3A_119 : vector<16xf32>
        %swap3A_123 = arith.index_cast %add3A_116 : i32 to index
        %swap3A_124 = tpu.vector_load %arg15[%swap3A_123] {strides = array<i32>} : memref<20000xf32, #tpu.memory_space<vmem>>, vector<16xf32>,
        tpu.vector_store %arg15[%swap3A_123], %mul3A_122 {strides = array<i32>} : memref<20000xf32, #tpu.memory_space<vmem>>, vector<16xf32>,
      }
      %scan3A_66 = arith.constant 250 : i32
      "tpu.region"() ({
        %run_scoped3A = tpu.sem_alloc : memref<!tpu.dma_semaphore, #tpu.memory_space<semaphore_mem>>
        %dma_start3A = tpu.memref_slice %arg8[%mul3A_11] : memref<320000xf32, #tpu.memory_space<hbm>> -> memref<20000xf32, #tpu.memory_space<hbm>>
        %dma_start3A_67 = tpu.memref_slice %arg8[%mul3A_11] : memref<320000xf32, #tpu.memory_space<hbm>> -> memref<20000xf32, #tpu.memory_space<hbm>>
        tpu.enqueue_dma source(%arg15 : memref<20000xf32, #tpu.memory_space<vmem>>) target(%dma_start3A_67 : memref<20000xf32, #tpu.memory_space<hbm>>) target_semaphore(%run_scoped3A : memref<!tpu.dma_semaphore, #tpu.memory_space<semaphore_mem>>)
        %dma_wait3A = tpu.memref_slice %arg8[%mul3A_11] : memref<320000xf32, #tpu.memory_space<hbm>> -> memref<20000xf32, #tpu.memory_space<hbm>>
        %dma_wait3A_68 = tpu.memref_slice %arg8[%mul3A_11] : memref<320000xf32, #tpu.memory_space<hbm>> -> memref<20000xf32, #tpu.memory_space<hbm>>
        tpu.wait_dma2 semaphore(%run_scoped3A : memref<!tpu.dma_semaphore, #tpu.memory_space<semaphore_mem>>) src(%arg15 : memref<20000xf32, #tpu.memory_space<vmem>>) dst(%dma_wait3A_68 : memref<20000xf32, #tpu.memory_space<hbm>>)
        tpu.yield
      }) : () -> ()
    } else {
    }
    return
  }
}

module attributes {stable_mosaic.version = 14 : i64} {
  func.func @body(%arg0: i32, %arg1: memref<10000x128xf32, #tpu.memory_space<vmem>>, %arg2: memref<1x128xf32, #tpu.memory_space<vmem>>, %arg3: memref<4000x128xf32, #tpu.memory_space<vmem>>, %arg4: memref<128x16xf32, #tpu.memory_space<vmem>>, %arg5: memref<16x8xf32, #tpu.memory_space<vmem>>, %arg6: memref<10000xf32, #tpu.memory_space<vmem>>, %arg7: memref<4000x16xf32, #tpu.memory_space<vmem>>, %arg8: memref<4000x8xf32, #tpu.memory_space<vmem>>) attributes {dimension_semantics = [#tpu.dimension_semantics<arbitrary>], iteration_bounds = array<i64: 10>, scalar_prefetch = 0 : i64, scratch_operands = 0 : i64, tpu.core_type = #tpu.core_type<tc>, window_params = [{pipeline_mode = #tpu.pipeline_mode<synchronous>, transform_indices = @transform_0, window_bounds = array<i64: 10000, 128>}, {pipeline_mode = #tpu.pipeline_mode<synchronous>, transform_indices = @transform_1, window_bounds = array<i64: 1, 128>}, {transform_indices = @transform_2, window_bounds = array<i64: 4000, 128>}, {pipeline_mode = #tpu.pipeline_mode<synchronous>, transform_indices = @transform_3, window_bounds = array<i64: 128, 16>}, {pipeline_mode = #tpu.pipeline_mode<synchronous>, transform_indices = @transform_4, window_bounds = array<i64: 16, 8>}, {pipeline_mode = #tpu.pipeline_mode<synchronous>, transform_indices = @transform_5, window_bounds = array<i64: 10000>}, {transform_indices = @transform_6, window_bounds = array<i64: 4000, 16>}, {transform_indices = @transform_7, window_bounds = array<i64: 4000, 8>}]} {
    %eq3A = arith.constant 0 : i32
    %eq3A_0 = arith.cmpi eq, %arg0, %eq3A : i32
    %convert_element_type3A = arith.extui %eq3A_0 : i1 to i32
    %cond3A = arith.constant 0 : i32
    %cond3A_1 = arith.cmpi ne, %convert_element_type3A, %cond3A : i32
    scf.if %cond3A_1 {
      %get3A_24 = arith.constant 0 : index
      %get3A_25 = arith.constant 0 : index
      %get3A_26 = vector.load %arg1[%get3A_24, %get3A_25] : memref<10000x128xf32, #tpu.memory_space<vmem>>, vector<10000x128xf32>
      %get3A_27 = arith.constant 0 : index
      %get3A_28 = arith.constant 0 : index
      %get3A_29 = vector.load %arg2[%get3A_27, %get3A_28] : memref<1x128xf32, #tpu.memory_space<vmem>>, vector<1x128xf32>
      %mul3A = vector.broadcast %get3A_29 : vector<1x128xf32> to vector<10000x128xf32>
      %mul3A_30 = arith.mulf %get3A_26, %mul3A : vector<10000x128xf32>
      %reduce_sum3A = arith.constant dense<0.000000e+00> : vector<10000xf32>
      %reduce_sum3A_31 = vector.multi_reduction <add>, %mul3A_30, %reduce_sum3A [1] : vector<10000x128xf32> to vector<10000xf32>
      %swap3A_32 = arith.constant 0 : index
      %swap3A_33 = vector.load %arg6[%swap3A_32] : memref<10000xf32, #tpu.memory_space<vmem>>, vector<10000xf32>
      tpu.vector_store %arg6[%swap3A_32], %reduce_sum3A_31 {strides = array<i32>} : memref<10000xf32, #tpu.memory_space<vmem>>, vector<10000xf32>,
    } else {
    }
    %get3A = arith.constant 0 : index
    %get3A_2 = arith.constant 0 : index
    %get3A_3 = vector.load %arg3[%get3A, %get3A_2] : memref<4000x128xf32, #tpu.memory_space<vmem>>, vector<4000x128xf32>
    %get3A_4 = arith.constant 0 : index
    %get3A_5 = arith.constant 0 : index
    %get3A_6 = vector.load %arg4[%get3A_4, %get3A_5] : memref<128x16xf32, #tpu.memory_space<vmem>>, vector<128x16xf32>
    %dot_general3A = arith.constant dense<0.000000e+00> : vector<4000x16xf32>
    %dot_general3A_7 = tpu.matmul %get3A_3, %get3A_6, %dot_general3A {dimension_numbers = #tpu.dot_dimension_numbers<[1], [0], [0], [1], [0, 0, 1, 1], [], []>, transpose_lhs_hint = false} : vector<4000x128xf32>, vector<128x16xf32>, vector<4000x16xf32> -> vector<4000x16xf32>
    %swap3A = arith.constant 0 : index
    %swap3A_8 = arith.constant 0 : index
    %swap3A_9 = vector.load %arg7[%swap3A, %swap3A_8] : memref<4000x16xf32, #tpu.memory_space<vmem>>, vector<4000x16xf32>
    tpu.vector_store %arg7[%swap3A, %swap3A_8], %dot_general3A_7 {strides = array<i32>} : memref<4000x16xf32, #tpu.memory_space<vmem>>, vector<4000x16xf32>,
    %get3A_10 = arith.constant 0 : index
    %get3A_11 = arith.constant 0 : index
    %get3A_12 = vector.load %arg5[%get3A_10, %get3A_11] : memref<16x8xf32, #tpu.memory_space<vmem>>, vector<16x8xf32>
    %dot_general3A_13 = arith.constant dense<0.000000e+00> : vector<4000x8xf32>
    %dot_general3A_14 = tpu.matmul %dot_general3A_7, %get3A_12, %dot_general3A_13 {dimension_numbers = #tpu.dot_dimension_numbers<[1], [0], [0], [1], [0, 0, 1, 1], [], []>, transpose_lhs_hint = false} : vector<4000x16xf32>, vector<16x8xf32>, vector<4000x8xf32> -> vector<4000x8xf32>
    %neg3A = arith.constant 0.000000e+00 : f32
    %neg3A_15 = vector.broadcast %neg3A : f32 to vector<4000x8xf32>
    %neg3A_16 = arith.subf %neg3A_15, %dot_general3A_14 : vector<4000x8xf32>
    %exp3A = math.exp %neg3A_16 : vector<4000x8xf32>
    %add3A = arith.constant 1.000000e+00 : f32
    %add3A_17 = vector.broadcast %add3A : f32 to vector<4000x8xf32>
    %add3A_18 = arith.addf %add3A_17, %exp3A : vector<4000x8xf32>
    %div3A = arith.constant 1.000000e+00 : f32
    %div3A_19 = vector.broadcast %div3A : f32 to vector<4000x8xf32>
    %div3A_20 = arith.divf %div3A_19, %add3A_18 : vector<4000x8xf32>
    %swap3A_21 = arith.constant 0 : index
    %swap3A_22 = arith.constant 0 : index
    %swap3A_23 = vector.load %arg8[%swap3A_21, %swap3A_22] : memref<4000x8xf32, #tpu.memory_space<vmem>>, vector<4000x8xf32>
    tpu.vector_store %arg8[%swap3A_21, %swap3A_22], %div3A_20 {strides = array<i32>} : memref<4000x8xf32, #tpu.memory_space<vmem>>, vector<4000x8xf32>,
    return
  }
  func.func @transform_0(%arg0: i32) -> (i32, i32) {
    %c0_i32 = arith.constant 0 : i32
    %c0_i32_0 = arith.constant 0 : i32
    %c0_i32_1 = arith.constant 0 : i32
    return %c0_i32, %c0_i32_0 : i32, i32
  }
  func.func @transform_1(%arg0: i32) -> (i32, i32) {
    %c0_i32 = arith.constant 0 : i32
    %c0_i32_0 = arith.constant 0 : i32
    %c0_i32_1 = arith.constant 0 : i32
    return %c0_i32, %c0_i32_0 : i32, i32
  }
  func.func @transform_2(%arg0: i32) -> (i32, i32) {
    %c0_i32 = arith.constant 0 : i32
    %c0_i32_0 = arith.constant 0 : i32
    return %arg0, %c0_i32 : i32, i32
  }
  func.func @transform_3(%arg0: i32) -> (i32, i32) {
    %c0_i32 = arith.constant 0 : i32
    %c0_i32_0 = arith.constant 0 : i32
    %c0_i32_1 = arith.constant 0 : i32
    return %c0_i32, %c0_i32_0 : i32, i32
  }
  func.func @transform_4(%arg0: i32) -> (i32, i32) {
    %c0_i32 = arith.constant 0 : i32
    %c0_i32_0 = arith.constant 0 : i32
    %c0_i32_1 = arith.constant 0 : i32
    return %c0_i32, %c0_i32_0 : i32, i32
  }
  func.func @transform_5(%arg0: i32) -> i32 {
    %c0_i32 = arith.constant 0 : i32
    %c0_i32_0 = arith.constant 0 : i32
    return %c0_i32 : i32
  }
  func.func @transform_6(%arg0: i32) -> (i32, i32) {
    %c0_i32 = arith.constant 0 : i32
    %c0_i32_0 = arith.constant 0 : i32
    return %arg0, %c0_i32 : i32, i32
  }
  func.func @transform_7(%arg0: i32) -> (i32, i32) {
    %c0_i32 = arith.constant 0 : i32
    %c0_i32_0 = arith.constant 0 : i32
    return %arg0, %c0_i32 : i32, i32
  }
}

</mosaic_0001>

<sc_bundles>
// kernel: kernel.4.cloned.1.call-start
scs
__scs_entry_jumppad:
0x0: {  	(pc) =	sbr.rel $0x88, $3  }
0x1: {  	(tag) =	ssettag $0x0;
	lr =	simm.s32 $0x1  }
0x2: {  	[smem:$0x3F9B] =	sst lr;
	_ =	strace $0xD0000000  }
0x3: {  	_ = 	snop  }
0x4: {  	_ = 	snop  }
0x5: {  	_ = 	snop  }
0x6: {  	_ = 	snop  }
0x7: {  	_ = 	snop  }
__scs_overlays_trampoline_lowered:
0x8: {  	[smem:$0x3FAA] =	sst s0  }
0x9: {  	[smem:$0x3FAB] =	sst s1  }
0xa: {  	[smem:$0x3FAC] =	sst s2  }
0xb: {  	[smem:$0x3FAD] =	sst s3  }
0xc: {  	[smem:$0x3FAE] =	sst s4  }
0xd: {  	[smem:$0x3FAF] =	sst s5  }
0xe: {  	[smem:$0x3FB0] =	sst s6  }
0xf: {  	[smem:$0x3FB1] =	sst s7  }
0x10: {  	[smem:$0x3FB2] =	sst s8  }
0x11: {  	[smem:$0x3FB3] =	sst s9;
	s0 =	simm.s32 @!p0 $0x0  }
0x12: {  	s1 =	sld [smem:$0x3F99];
	s0 =	simm.s32 @p0 $0x1  }
0x13: {  	[smem:$0x3FB4] =	sst s0;
	s0 =	simm.s32 @!p1 $0x0  }
0x14: {  	s2 =	sld [smem:$0x3F98];
	s0 =	simm.s32 @p1 $0x1  }
0x15: {  	[smem:$0x3FB5] =	sst s0;
	s0 =	simm.s32 @!p2 $0x0  }
0x16: {  	s3 =	sld [smem:$0x3FDB];
	s0 =	simm.s32 @p2 $0x1  }
0x17: {  	s4 =	simm.s32 $0x1BF5;
	[smem:$0x3FB7] =	sst s0  }
0x18: {  	s0 =	sld [smem:$0x3F9A];
	_ =	swait.ge [sflag:s4], $0x0  }
0x19: {  	s7 =	sld [smem:$0x3F9B]  }
0x1a: {  	s8 =	sadd.s32 $0xFFFFE003, lr  }
0x1b: {  	s9 =	sadd.s32 $0xFFFFFEF7, lr;
	s5 =	simm.s32 $0xFFFFFFFF;
	p2 =	slt.u32 s8, $0xFFFFF086  }
0x1c: {  	p1 =	slt.u32 s9, $0xF7A;
	s5 =	simm.s32 @!p2 $0x0  }
0x1d: {  	s5 =	simm.s32 @p1 $0x1;
	p0 =	seq.s32 s7, s2  }
0x1e: {  	s7 =	smul.u32 @!p0 $0xF7A, s2;
	p2 =	seq.s32 @!p0 s5, $0x0  }
0x1f: {  	s9 =	smul.u32 $0xF7A, s1;
	s8 =	simm.s32 @!p0 $0x1BF5;
	p2 =	por !p2, p0  }
0x20: {  	[sflag:s8] =	ssyncset.s32 @!p0 $0xFFFFF086;
	s6 =	sadd.s32 @!p0 s3, s7;
	s7 =	simm.s32 @!p0 $0x108  }
0x21: {  	s3 =	sadd.s32 s3, s9;
	s6 =	sadd.s32 @!p0 $0x88, s6;
	s7 =	simm.s32 @p2 $0x1082  }
0x22: {  	[simem:s7], [sflag:s8] =	dma.local @!p0 [hbm:s6], $0xF7A  }
0x23: {  	s9 =	sor.u32 $0xD0000000, s2;
	s6 =	simm.s32 $0x108;
	_ =	swait.ge @!p0 [sflag:s8], $0x0  }
0x24: {  	s3 =	sadd.s32 $0x88, s3;
	s6 =	simm.s32 @!p1 $0x1082;
	[sflag:s4] =	ssyncset.s32 $0xFFFFF086  }
0x25: {  	[simem:s6], [sflag:s4] =	dma.local [hbm:s3], $0xF7A  }
0x26: {  	[smem:$0x3F9B] =	sst s1;
	(tag) =	ssettag s2;
	_ =	strace s9  }
0x27: {  	s1 =	sld [smem:$0x3FAB]  }
0x28: {  	s2 =	sld [smem:$0x3FAC]  }
0x29: {  	s4 =	sld [smem:$0x3FAE]  }
0x2a: {  	p0 =	seq.s32 s5, $0x0;
	s5 =	sld [smem:$0x3FAF]  }
0x2b: {  	s6 =	sld [smem:$0x3FB0]  }
0x2c: {  	s7 =	sld [smem:$0x3FB1]  }
0x2d: {  	s3 =	simm.s32 $0x108;
	s8 =	sld [smem:$0x3FB2]  }
0x2e: {  	s3 =	simm.s32 @!p0 $0x1082;
	s9 =	sld [smem:$0x3FB3]  }
0x2f: {  	lr =	sadd.s32 s0, s3;
	s0 =	sld [smem:$0x3FAA]  }
0x30: {  	s3 =	sld [smem:$0x3FAD]  }
0x31: {  	[smem:$0x3FB6] =	sst s10  }
0x32: {  	s10 =	sld [smem:$0x3FB4];
	_ =	sdelay $0x3  }
0x33: {  	p0 =	seq.s32 s10, $0x1;
	s10 =	sld [smem:$0x3FB6];
	_ =	sdelay $0x3  }
0x34: {  	[smem:$0x3FB6] =	sst s10  }
0x35: {  	s10 =	sld [smem:$0x3FB5];
	_ =	sdelay $0x3  }
0x36: {  	p1 =	seq.s32 s10, $0x1;
	s10 =	sld [smem:$0x3FB6];
	_ =	sdelay $0x3  }
0x37: {  	[smem:$0x3FB6] =	sst s10  }
0x38: {  	s10 =	sld [smem:$0x3FB7]  }
0x39: {  	_ = 	snop;
	(pc) =	sbr.ind lr, $3  }
0x3a: {  	_ = 	snop  }
0x3b: {  	_ = 	snop  }
0x3c: {  	p2 =	seq.s32 s10, $0x1;
	s10 =	sld [smem:$0x3FB6]  }
0x3d: {  	_ =	shalt  }
0x3e: {  	_ =	shalt  }
0x3f: {  	_ =	shalt  }
0x40: {  	_ =	shalt  }
0x41: {  	_ =	shalt  }
0x42: {  	_ =	shalt  }
0x43: {  	_ =	shalt  }
0x44: {  	_ =	shalt  }
0x45: {  	_ =	shalt  }
0x46: {  	_ =	shalt  }
0x47: {  	_ =	shalt  }
0x48: {  	_ =	shalt  }
0x49: {  	_ =	shalt  }
0x4a: {  	_ =	shalt  }
0x4b: {  	_ =	shalt  }
0x4c: {  	_ =	shalt  }
0x4d: {  	_ =	shalt  }
0x4e: {  	_ =	shalt  }
0x4f: {  	_ =	shalt  }
0x50: {  	_ =	shalt  }
0x51: {  	_ =	shalt  }
0x52: {  	_ =	shalt  }
0x53: {  	_ =	shalt  }
0x54: {  	_ =	shalt  }
0x55: {  	_ =	shalt  }
0x56: {  	_ =	shalt  }
0x57: {  	_ =	shalt  }
0x58: {  	_ =	shalt  }
0x59: {  	_ =	shalt  }
0x5a: {  	_ =	shalt  }
0x5b: {  	_ =	shalt  }
0x5c: {  	_ =	shalt  }
0x5d: {  	_ =	shalt  }
0x5e: {  	_ =	shalt  }
0x5f: {  	_ =	shalt  }
0x60: {  	_ =	shalt  }
0x61: {  	_ =	shalt  }
0x62: {  	_ =	shalt  }
0x63: {  	_ =	shalt  }
0x64: {  	_ =	shalt  }
0x65: {  	_ =	shalt  }
0x66: {  	_ =	shalt  }
0x67: {  	_ =	shalt  }
0x68: {  	_ =	shalt  }
0x69: {  	_ =	shalt  }
0x6a: {  	_ =	shalt  }
0x6b: {  	_ =	shalt  }
0x6c: {  	_ =	shalt  }
0x6d: {  	_ =	shalt  }
0x6e: {  	_ =	shalt  }
0x6f: {  	_ =	shalt  }
0x70: {  	_ =	shalt  }
0x71: {  	_ =	shalt  }
0x72: {  	_ =	shalt  }
0x73: {  	_ =	shalt  }
0x74: {  	_ =	shalt  }
0x75: {  	_ =	shalt  }
0x76: {  	_ =	shalt  }
0x77: {  	_ =	shalt  }
0x78: {  	_ =	shalt  }
0x79: {  	_ =	shalt  }
0x7a: {  	_ =	shalt  }
0x7b: {  	_ =	shalt  }
0x7c: {  	_ =	shalt  }
0x7d: {  	_ =	shalt  }
0x7e: {  	_ =	shalt  }
0x7f: {  	_ =	shalt  }
0x80: {  	_ =	shalt  }
0x81: {  	_ =	shalt  }
0x82: {  	_ =	shalt  }
0x83: {  	_ =	shalt  }
0x84: {  	_ =	shalt  }
0x85: {  	_ =	shalt  }
0x86: {  	_ =	shalt  }
0x87: {  	_ =	shalt  }
.Lfunc_end0:
.L_simem_size_0:
called_computation_lowered:
.L_overlay_start_0:
0x88: {  	s2 =	sld [smem:$0x3FD9]  }
0x89: {  	s3 =	sld [smem:$0x3FFE];
	_ =	sdelay $0x1  }
0x8a: {  	s1 =	srdreg.scid  }
0x8b: {  	s0 =	sand.u32 $0x1, s1  }
0x8c: {  	s14 =	sshll.u32 s0, $0xA;
	s2 =	sadd.s32 s3, s2  }
0x8d: {  	s2 =	sadd.s32 s2, s14  }
0x8e: {  	[smem:$0x3FC2] =	sst s2  }
0x8f: {  	_ = 	snop  }
0x90: {  	s2 =	sld [smem:$0x3FD0];
	_ =	sdelay $0x2  }
0x91: {  	s15 =	simm.s32 $0xA;
	s4 =	simm.s32 $0x10  }
0x92: {  	[smem:s4], [sflag:s15] =	dma.local [hbm:s2], $0x1  }
0x93: {  	_ =	swait.eq [sflag:s15], $0x1  }
0x94: {  	[sflag:s15] =	ssyncset.done $0x0  }
0x95: {  	s16 =	sld [smem:$0x10];
	[sflag:s15] =	ssyncadd.s32 $0xFFFFFFFF  }
0x96: {  	s17 =	sld [smem:$0x11];
	(tm) =	ssettm $0x1  }
0x97: {  	s18 =	sld [smem:$0x3FFB];
	_ =	sdelay $0x3  }
0x98: {  	_ =	strace s18  }
0x99: {  	s4 =	sld [smem:$0x3FFC];
	_ =	sdelay $0x3  }
0x9a: {  	_ =	strace s4  }
0x9b: {  	s4 =	sld [smem:$0x3FFD];
	_ =	sdelay $0x3  }
0x9c: {  	_ =	strace s4  }
0x9d: {  	_ =	strace $0x8FFFFFFF  }
0x9e: {  	s19 =	sld [smem:$0x3FDB];
	_ =	sdelay $0x1  }
0x9f: {  	s5 =	simm.s32 $_scs_section_size  }
0xa0: {  	s6 =	simm.s32 $_size__tile_overlayer_lowered;
	s7 =	simm.s32 $_tile_overlayer_lowered  }
0xa1: {  	s22 =	simm.s32 $0x1BFF;
	s21 =	sshll.u32 s7, $0x1;
	s4 =	sadd.s32 s5, s19  }
0xa2: {  	s8 =	simm.s32 $0x0;
	s20 =	sshll.u32 s6, $0x1;
	s6 =	sadd.s32 s21, s4  }
0xa3: {  	[timem:s8], [sflag:s22] =	dma.local [hbm:s6], s20  }
0xa4: {  	_ =	swait.ge [sflag:s22], s20  }
0xa5: {  	s5 =	ssub.s32 $0x0, s20;
	[sflag:s22] =	ssyncset.done $0x0  }
0xa6: {  	[sflag:s22] =	ssyncadd.s32 s5;
	_ =	sdelay $0x1  }
0xa7: {  	s23 =	simm.s32 $0x1B8B  }
0xa8: {  	_ =	swait.ge [sflag:s23], $0x1  }
0xa9: {  	[sflag:s23] =	ssyncset.done $0x0  }
0xaa: {  	s25 =	simm.s32 $0x1B8E;
	s24 =	sld [smem:$0x3FFE];
	[sflag:s23] =	ssyncadd.s32 $0xFFFFFFFF  }
0xab: {  	s26 =	simm.s32 $execute0_lowered;
	[smem:$0x3FD2] =	sst s25  }
0xac: {  	s6 =	sshll.u32 s26, $0x1;
	_ =	strace $0x80000046;
	[dreg:$0x1] =	wrdreg $0xFFFFFFFF  }
0xad: {  	s28 =	simm.s32 $_size_execute0_lowered;
	s4 =	sadd.s32 s4, s6;
	[dreg:$0x0] =	wrdreg $0x0  }
0xae: {  	s6 =	sshll.u32 s28, $0x1;
	[dreg:$0x2] =	wrdreg s4  }
0xaf: {  	[dreg:$0x3] =	wrdreg s6  }
0xb0: {  	[dreg:$0x4] =	wrdreg $0xC0  }
0xb1: {  	_ =	task [dreg:s8], $0x5FFFF  }
0xb2: {  	[dreg:$0x1] =	wrdreg $0xFFFFFFFF  }
0xb3: {  	[dreg:$0x0] =	wrdreg $0x60  }
0xb4: {  	[dreg:$0x2] =	wrdreg s24  }
0xb5: {  	[dreg:$0x3] =	wrdreg s16  }
0xb6: {  	[dreg:$0x4] =	wrdreg s17  }
0xb7: {  	[dreg:$0x5] =	wrdreg $0x1DD800  }
0xb8: {  	[dreg:$0x6] =	wrdreg $0x1E0000  }
0xb9: {  	[dreg:$0x7] =	wrdreg $0x9  }
0xba: {  	_ =	task.clear_ibuf [dreg:s8], $0x8FFFF;
	_ =	strace $0x90000046  }
0xbb: {  	s29 =	simm.s32 $0x9;
	_ =	strace $0x80000048  }
0xbc: {  	_ =	swait.ge [sflag:s29], $0x1  }
0xbd: {  	[sflag:s29] =	ssyncadd.s32 $0xFFFFFFFF  }
0xbe: {  	_ =	strace $0x90000048  }
0xbf: {  	_ =	sfence  }
0xc0: {  	s30 =	sld [smem:$0x0];
	_ =	sdelay $0x2  }
0xc1: {  	s31 =	sshll.u32 s1, $0xD;
	s1 =	sshrl.u32 s1, $0x2  }
0xc2: {  	s3 =	sand.u32 $0x4000, s31;
	s1 =	sadd.s32 s1, s30  }
0xc3: {  	s0 =	sor.u32 s3, s0;
	s1 =	sshll.u32 s1, $0x11  }
0xc4: {  	s0 =	sor.u32 s1, s0  }
0xc5: {  	s0 =	sadd.s32 $0x8F2B, s0  }
0xc6: {  	[sflag:s0] =	ssyncadd.remote.s32 $0x1  }
0xc7: {  	_ =	sfence.sel $0xFFFF  }
0xc8: {  	[dreg:$0x0] =	wrdreg $0xFFFFFFFF;
	(pc) =	sbr.abs _section_cstart, $3  }
0xc9: {  	[dreg:$0x1] =	wrdreg $0xFFFFFFFF  }
0xca: {  	_ =	task.clear_ibuf [dreg:s8], $0x2FFFF;
	_ =	strace $0x9FFFFFFF  }
0xcb: {  	(tm) =	ssettm $0x7FFFFFFF  }
tec
execute0_lowered:
.L_overlay_start_1:
0x0: {  	(tag) =	ssettag $0x1  }
0x1: {  	s1 =	srdreg.scid  }
0x2: {  	s8 =	rddreg [dreg:$0x0];
	s1 =	sand.u32 $0x1, s1  }
0x3: {  	s4 =	rddreg [dreg:$0x1];
	p0 =	seq.s32 s1, $0x1  }
.Ltmp0:
0x4: {  	s10 =	rddreg [dreg:$0x2];
	(pc) =	sbr.rel @p0 .LBB2_14-.Ltmp0, $4  }
0x5: {  	s3 =	rddreg [dreg:$0x3]  }
0x6: {  	s5 =	rddreg [dreg:$0x4];
	s7 =	simm.s32 $0x0  }
0x7: {  	[smem:$0x7FF] =	sst s7  }
0x8: {  	s0 =	rddreg [dreg:$0x5];
	_ =	strace $0x80000047;
	s1 =	stileid.u32  }
0x9: {  	v0 =	vimm.f32 $0.0e+00  }
0xa: {  	[tilespmem:$0x1DB00] =	vst v0  }
0xb: {  	[tilespmem:$0x1DB10] =	vst v0  }
0xc: {  	[tilespmem:$0x1DB20] =	vst v0  }
0xd: {  	[tilespmem:$0x1DB30] =	vst v0  }
0xe: {  	[tilespmem:$0x1DB40] =	vst v0  }
0xf: {  	[tilespmem:$0x1DB50] =	vst v0  }
0x10: {  	[tilespmem:$0x1DB60] =	vst v0  }
0x11: {  	[tilespmem:$0x1DB70] =	vst v0  }
0x12: {  	[tilespmem:$0x1DB80] =	vst v0  }
0x13: {  	[tilespmem:$0x1DB90] =	vst v0  }
0x14: {  	[tilespmem:$0x1DBA0] =	vst v0  }
0x15: {  	[tilespmem:$0x1DBB0] =	vst v0  }
0x16: {  	[tilespmem:$0x1DBC0] =	vst v0  }
0x17: {  	[tilespmem:$0x1DBD0] =	vst v0  }
0x18: {  	[tilespmem:$0x1DBE0] =	vst v0  }
0x19: {  	[tilespmem:$0x1DBF0] =	vst v0  }
0x1a: {  	[tilespmem:$0x1DC00] =	vst v0  }
0x1b: {  	[tilespmem:$0x1DC10] =	vst v0  }
0x1c: {  	[tilespmem:$0x1DC20] =	vst v0  }
0x1d: {  	[tilespmem:$0x1DC30] =	vst v0  }
0x1e: {  	[tilespmem:$0x1DC40] =	vst v0  }
0x1f: {  	[tilespmem:$0x1DC50] =	vst v0  }
0x20: {  	[tilespmem:$0x1DC60] =	vst v0  }
0x21: {  	[tilespmem:$0x1DC70] =	vst v0  }
0x22: {  	[tilespmem:$0x1DC80] =	vst v0  }
0x23: {  	[tilespmem:$0x1DC90] =	vst v0  }
0x24: {  	[tilespmem:$0x1DCA0] =	vst v0  }
0x25: {  	[tilespmem:$0x1DCB0] =	vst v0  }
0x26: {  	[tilespmem:$0x1DCC0] =	vst v0  }
0x27: {  	[tilespmem:$0x1DCD0] =	vst v0  }
0x28: {  	[tilespmem:$0x1DCE0] =	vst v0  }
0x29: {  	[tilespmem:$0x1DCF0] =	vst v0  }
0x2a: {  	[tilespmem:$0x1DD00] =	vst v0  }
0x2b: {  	[tilespmem:$0x1DD10] =	vst v0  }
0x2c: {  	[tilespmem:$0x1DD20] =	vst v0  }
0x2d: {  	[tilespmem:$0x1DD30] =	vst v0  }
0x2e: {  	[tilespmem:$0x1DD40] =	vst v0  }
0x2f: {  	s2 =	smul.u32 $0x280, s1;
	[tilespmem:$0x1DD50] =	vst v0  }
0x30: {  	[tilespmem:$0x1DD60] =	vst v0  }
0x31: {  	s9 =	simm.s32 $0x1DB00;
	s12 =	simm.s32 $0x3;
	[tilespmem:$0x1DD70] =	vst v0;
	s6 =	sadd.s32 s2, s3  }
0x32: {  	[spmem:s6] =	stream.linear.scatter [tilespmem:s9], [sflag:$0x3], $0x280, $0x38;
	[tilespmem:$0x1E280] =	vst v63  }
0x33: {  	_ =	swait.ge [sflag:s12], $0x280  }
0x34: {  	[sflag:s12] =	ssyncset.done $0x0  }
0x35: {  	s6 =	sadd.s32 s2, s5;
	[sflag:s12] =	ssyncadd.s32 $0xFFFFFD80  }
0x36: {  	[spmem:s6] =	stream.linear.scatter [tilespmem:s9], [sflag:$0x3], $0x280, $0x38;
	[tilespmem:$0x1E280] =	vst v63  }
0x37: {  	_ =	swait.ge [sflag:s12], $0x280  }
0x38: {  	[sflag:s12] =	ssyncset.done $0x0  }
0x39: {  	s22 =	sadd.s32 $0x13AE00, s8;
	[sflag:s12] =	ssyncadd.s32 $0xFFFFFD80  }
0x3a: {  	[tilespmem:s7], [sflag:$0x3] =	stream.linear.gather [hbm4b:s22+s7], $0x2780, $0x38;
	[tilespmem:$0x1E280] =	vst v63  }
0x3b: {  	s11 =	smul.u32 $0x9C4, s1;
	_ =	swait.ge [sflag:s12], $0x2780  }
0x3c: {  	s23 =	sadd.s32 $0xC400, s8;
	[sflag:s12] =	ssyncset.done $0x0  }
0x3d: {  	s13 =	simm.s32 $0x2780;
	s9 =	sadd.s32 s23, s11;
	[sflag:s12] =	ssyncadd.s32 $0xFFFFD880  }
0x3e: {  	[tilespmem:s13], [sflag:$0x3] =	stream.linear.gather [hbm4b:s9+s7], $0x4E20, $0x38;
	[tilespmem:$0x1E280] =	vst v63  }
0x3f: {  	_ =	swait.ge [sflag:s12], $0x4E20  }
0x40: {  	s24 =	sadd.s32 $0x2600, s8;
	[sflag:s12] =	ssyncset.done $0x0  }
0x41: {  	s25 =	simm.s32 $0x7600;
	s9 =	sadd.s32 s24, s11;
	[sflag:s12] =	ssyncadd.s32 $0xFFFFB1E0  }
0x42: {  	[tilespmem:s25], [sflag:$0x3] =	stream.linear.gather [hbm4b:s9+s7], $0x4E20, $0x38;
	[tilespmem:$0x1E280] =	vst v63  }
0x43: {  	_ =	swait.ge [sflag:s12], $0x4E20  }
0x44: {  	s26 =	sadd.s32 $0x13B400, s8;
	[sflag:s12] =	ssyncset.done $0x0  }
0x45: {  	s28 =	simm.s32 $0xC480;
	s9 =	sadd.s32 s26, s11;
	[sflag:s12] =	ssyncadd.s32 $0xFFFFB1E0  }
0x46: {  	[tilespmem:s28], [sflag:$0x3] =	stream.linear.gather [hbm4b:s9+s7], $0x4E20, $0x38;
	[tilespmem:$0x1E280] =	vst v63  }
0x47: {  	_ =	swait.ge [sflag:s12], $0x4E20  }
0x48: {  	[sflag:s12] =	ssyncset.done $0x0  }
0x49: {  	s29 =	sadd.s32 $0x16200, s8;
	s30 =	simm.s32 $0x11300;
	[sflag:s12] =	ssyncadd.s32 $0xFFFFB1E0  }
0x4a: {  	[tilespmem:s30], [sflag:$0x3] =	stream.linear.gather [hbm4b:s29+s7], $0x80, $0x38;
	[tilespmem:$0x1E280] =	vst v63  }
0x4b: {  	_ =	swait.ge [sflag:s12], $0x80  }
0x4c: {  	[sflag:s12] =	ssyncset.done $0x0  }
0x4d: {  	[sflag:s12] =	ssyncadd.s32 $0xFFFFFF80  }
0x4e: {  	s9 =	simm.s32 $0x0;
	[bflag:$0x0] =	sbarrier.arrive $0xFFFF  }
0x4f: {  	v0 =	vld [tilespmem:s9+$0x7600]  }
0x50: {  	v1 =	vld [tilespmem:s9+$0x2780];
	_ =	sdelay $0x4  }
0x51: {  	v3 =	vld [tilespmem:$0x11300];
	_ =	sdelay $0x1  }
0x52: {  	v4 =	vld.idx.msk [tilespmem:v0+s7+$0x0], $0xffff  }
0x53: {  	v5 =	vld.idx.msk [tilespmem:v1+s7+$0x0], $0xffff;
	_ =	sdelay $0x1  }
0x54: {  	v0 =	vbroadcast v3, $0x2;
	v1 =	vbroadcast v3, $0x3  }
0x55: {  	v2 =	vbroadcast v3, $0x0;
	v3 =	vbroadcast v3, $0x1  }
0x56: {  	v6 =	vmul.f32 v4, v0;
	v4 =	vmul.f32 v4, v1  }
0x57: {  	v7 =	vld [tilespmem:s9+$0xC480];
	v8 =	vmul.f32 v5, v2;
	v9 =	vmul.f32 v5, v3;
	_ =	sdelay $0x1  }
0x58: {  	v6 =	vadd.f32 v6, v8;
	v4 =	vadd.f32 v4, v9;
	_ =	sdelay $0x1  }
0x59: {  	v8 =	vmul.f32 $2.000000030e-01, v6;
	v9 =	vmul.f32 $2.000000030e-01, v4  }
0x5a: {  	v10 =	vsub.f32 $1.000000000e+00, v7;
	vm0 =	vge.f32 v6, $0.0e+00;
	vm1 =	vge.f32 v4, $0.0e+00  }
0x5b: {  	v6 =	vsel vm0, v6, v8;
	v4 =	vsel vm1, v4, v9  }
0x5c: {  	v6 =	vmul.f32 v6, v7;
	v4 =	vmul.f32 v4, v10;
	_ =	sdelay $0x1  }
0x5d: {  	v4 =	vadd.f32 v4, v6;
	_ =	sdelay $0x1  }
0x5e: {  	v4 =	vmul.f32 $1.442695020e+00, v4;
	_ =	sdelay $0x1  }
0x5f: {  	(erf) = vpow2.f32 v4;
	_ =	sdelay $0x4  }
0x60: {  	v4 =	vld [tilespmem:s9+$0x2790]  }
0x61: {  	v6 =	vld [tilespmem:s9+$0x7610];
	_ =	sdelay $0x2  }
0x62: {  	v7 =	vpop (erf)  }
0x63: {  	v5 =	vmul.f32 v7, v5  }
0x64: {  	[tilespmem:s9+$0x11380] =	vst v7  }
0x65: {  	[tilespmem:s9+$0x16200] =	vst v5  }
0x66: {  	v4 =	vld.idx.msk [tilespmem:v4+s7+$0x0], $0xffff  }
0x67: {  	v5 =	vld.idx.msk [tilespmem:v6+s7+$0x0], $0xffff;
	_ =	sdelay $0x3  }
0x68: {  	v6 =	vmul.f32 v4, v2;
	v7 =	vmul.f32 v4, v3  }
0x69: {  	v8 =	vld [tilespmem:s9+$0xC490];
	v52 =	vmul.f32 v5, v0;
	v5 =	vmul.f32 v5, v1;
	_ =	sdelay $0x1  }
0x6a: {  	v6 =	vadd.f32 v52, v6;
	v5 =	vadd.f32 v5, v7;
	_ =	sdelay $0x1  }
0x6b: {  	v7 =	vmul.f32 $2.000000030e-01, v6;
	v53 =	vmul.f32 $2.000000030e-01, v5  }
0x6c: {  	v54 =	vsub.f32 $1.000000000e+00, v8;
	vm8 =	vge.f32 v6, $0.0e+00;
	vm9 =	vge.f32 v5, $0.0e+00  }
0x6d: {  	v6 =	vsel vm8, v6, v7;
	v5 =	vsel vm9, v5, v53  }
0x6e: {  	v6 =	vmul.f32 v6, v8;
	v5 =	vmul.f32 v5, v54;
	_ =	sdelay $0x1  }
0x6f: {  	v5 =	vadd.f32 v5, v6;
	_ =	sdelay $0x1  }
0x70: {  	v5 =	vmul.f32 $1.442695020e+00, v5;
	_ =	sdelay $0x1  }
0x71: {  	(erf) = vpow2.f32 v5;
	_ =	sdelay $0x4  }
0x72: {  	v5 =	vld [tilespmem:s9+$0x27A0]  }
0x73: {  	v6 =	vld [tilespmem:s9+$0x7620];
	_ =	sdelay $0x2  }
0x74: {  	v7 =	vpop (erf)  }
0x75: {  	v4 =	vmul.f32 v7, v4  }
0x76: {  	[tilespmem:s9+$0x11390] =	vst v7  }
0x77: {  	[tilespmem:s9+$0x16210] =	vst v4  }
0x78: {  	v4 =	vld.idx.msk [tilespmem:v5+s7+$0x0], $0xffff  }
0x79: {  	v5 =	vld.idx.msk [tilespmem:v6+s7+$0x0], $0xffff;
	_ =	sdelay $0x3  }
0x7a: {  	v6 =	vmul.f32 v4, v2;
	v7 =	vmul.f32 v4, v3  }
0x7b: {  	v8 =	vld [tilespmem:s9+$0xC4A0];
	v55 =	vmul.f32 v5, v0;
	v5 =	vmul.f32 v5, v1;
	_ =	sdelay $0x1  }
0x7c: {  	v6 =	vadd.f32 v55, v6;
	v5 =	vadd.f32 v5, v7;
	_ =	sdelay $0x1  }
0x7d: {  	v7 =	vmul.f32 $2.000000030e-01, v6;
	v56 =	vmul.f32 $2.000000030e-01, v5  }
0x7e: {  	v57 =	vsub.f32 $1.000000000e+00, v8;
	vm10 =	vge.f32 v6, $0.0e+00;
	vm11 =	vge.f32 v5, $0.0e+00  }
0x7f: {  	v6 =	vsel vm10, v6, v7;
	v5 =	vsel vm11, v5, v56  }
0x80: {  	v6 =	vmul.f32 v6, v8;
	v5 =	vmul.f32 v5, v57;
	_ =	sdelay $0x1  }
0x81: {  	v5 =	vadd.f32 v5, v6;
	_ =	sdelay $0x1  }
0x82: {  	v5 =	vmul.f32 $1.442695020e+00, v5;
	_ =	sdelay $0x1  }
0x83: {  	(erf) = vpow2.f32 v5;
	_ =	sdelay $0x4  }
0x84: {  	v5 =	vld [tilespmem:s9+$0x27B0]  }
0x85: {  	v6 =	vld [tilespmem:s9+$0x7630];
	_ =	sdelay $0x2  }
0x86: {  	v7 =	vpop (erf)  }
0x87: {  	v4 =	vmul.f32 v7, v4  }
0x88: {  	[tilespmem:s9+$0x113A0] =	vst v7  }
0x89: {  	[tilespmem:s9+$0x16220] =	vst v4  }
0x8a: {  	v4 =	vld.idx.msk [tilespmem:v5+s7+$0x0], $0xffff  }
0x8b: {  	v5 =	vld.idx.msk [tilespmem:v6+s7+$0x0], $0xffff;
	_ =	sdelay $0x3  }
0x8c: {  	v6 =	vmul.f32 v4, v2;
	v7 =	vmul.f32 v4, v3  }
0x8d: {  	v8 =	vld [tilespmem:s9+$0xC4B0];
	v58 =	vmul.f32 v5, v0;
	v5 =	vmul.f32 v5, v1;
	_ =	sdelay $0x1  }
0x8e: {  	v6 =	vadd.f32 v58, v6;
	v5 =	vadd.f32 v5, v7;
	_ =	sdelay $0x1  }
0x8f: {  	v7 =	vmul.f32 $2.000000030e-01, v6;
	v59 =	vmul.f32 $2.000000030e-01, v5  }
0x90: {  	v60 =	vsub.f32 $1.000000000e+00, v8;
	vm12 =	vge.f32 v6, $0.0e+00;
	vm13 =	vge.f32 v5, $0.0e+00  }
0x91: {  	v6 =	vsel vm12, v6, v7;
	v5 =	vsel vm13, v5, v59  }
0x92: {  	v6 =	vmul.f32 v6, v8;
	v5 =	vmul.f32 v5, v60;
	_ =	sdelay $0x1  }
0x93: {  	v5 =	vadd.f32 v5, v6;
	_ =	sdelay $0x1  }
0x94: {  	v5 =	vmul.f32 $1.442695020e+00, v5;
	_ =	sdelay $0x1  }
0x95: {  	(erf) = vpow2.f32 v5;
	_ =	sdelay $0x4  }
0x96: {  	v5 =	vld [tilespmem:s9+$0x27C0]  }
0x97: {  	v6 =	vld [tilespmem:s9+$0x7640];
	_ =	sdelay $0x2  }
0x98: {  	v7 =	vpop (erf)  }
0x99: {  	v4 =	vmul.f32 v7, v4  }
0x9a: {  	[tilespmem:s9+$0x113B0] =	vst v7  }
0x9b: {  	[tilespmem:s9+$0x16230] =	vst v4  }
0x9c: {  	v4 =	vld.idx.msk [tilespmem:v5+s7+$0x0], $0xffff  }
0x9d: {  	v5 =	vld.idx.msk [tilespmem:v6+s7+$0x0], $0xffff;
	_ =	sdelay $0x3  }
0x9e: {  	v6 =	vmul.f32 v4, v2;
	v7 =	vmul.f32 v4, v3  }
0x9f: {  	v8 =	vld [tilespmem:s9+$0xC4C0];
	v61 =	vmul.f32 v5, v0;
	v5 =	vmul.f32 v5, v1;
	_ =	sdelay $0x1  }
0xa0: {  	v6 =	vadd.f32 v61, v6;
	v5 =	vadd.f32 v5, v7;
	_ =	sdelay $0x1  }
0xa1: {  	v7 =	vmul.f32 $2.000000030e-01, v6;
	v62 =	vmul.f32 $2.000000030e-01, v5  }
0xa2: {  	v63 =	vsub.f32 $1.000000000e+00, v8;
	vm14 =	vge.f32 v6, $0.0e+00;
	vm15 =	vge.f32 v5, $0.0e+00  }
0xa3: {  	v6 =	vsel vm14, v6, v7;
	v5 =	vsel vm15, v5, v62  }
0xa4: {  	v6 =	vmul.f32 v6, v8;
	v5 =	vmul.f32 v5, v63;
	_ =	sdelay $0x1  }
0xa5: {  	v5 =	vadd.f32 v5, v6;
	_ =	sdelay $0x1  }
0xa6: {  	v6 =	vmul.f32 $1.442695020e+00, v5  }
0xa7: {  	s31 =	sshrl.u32 s2, $0x3;
	s13 =	simm.s32 $0x50  }
0xa8: {  	s8 =	sadd.s32 $0x4B0, s4;
	s7 =	sadd.s32 s4, s31;
	v5 =	vld [tilespmem:s13+$0x2780];
	(erf) = vpow2.f32 v6  }
0xa9: {  	s4 =	sadd.s32 s10, s11;
	s11 =	simm.s32 $0x280;
	s10 =	simm.s32 $0x0;
	v6 =	vld [tilespmem:s13+$0x7600]  }
.LBB2_2:
0xaa: {  	p0 =	sne.s32 s11, $0x13740;
	s12 =	smov.u32 s11;
	s11 =	sadd.s32 $0x140, s11  }
0xab: {  	_ =	sdelay $0x5  }
0xac: {  	v7 =	vpop (erf)  }
0xad: {  	[tilespmem:s9+$0x113C0] =	vst v7;
	v4 =	vmul.f32 v7, v4;
	_ =	sdelay $0x1  }
0xae: {  	v7 =	vld [tilespmem:s13+$0xC480];
	[tilespmem:s9+$0x16240] =	vst v4;
	s9 =	smov.u32 s13  }
0xaf: {  	v4 =	vld.idx.msk [tilespmem:v6+s10+$0x0], $0xffff  }
0xb0: {  	v5 =	vld.idx.msk [tilespmem:v5+s10+$0x0], $0xffff;
	_ =	sdelay $0x4  }
0xb1: {  	v8 =	vsub.f32 $1.000000000e+00, v7;
	v6 =	vmul.f32 v4, v0;
	v4 =	vmul.f32 v4, v1  }
0xb2: {  	v9 =	vmul.f32 v5, v2;
	v10 =	vmul.f32 v5, v3;
	_ =	sdelay $0x1  }
0xb3: {  	v6 =	vadd.f32 v6, v9;
	v4 =	vadd.f32 v4, v10;
	_ =	sdelay $0x1  }
0xb4: {  	v9 =	vmul.f32 $2.000000030e-01, v6;
	v10 =	vmul.f32 $2.000000030e-01, v4  }
0xb5: {  	vm0 =	vge.f32 v6, $0.0e+00;
	vm1 =	vge.f32 v4, $0.0e+00  }
0xb6: {  	v6 =	vsel vm0, v6, v9;
	v4 =	vsel vm1, v4, v10  }
0xb7: {  	v6 =	vmul.f32 v6, v7;
	v4 =	vmul.f32 v4, v8;
	_ =	sdelay $0x1  }
0xb8: {  	v4 =	vadd.f32 v4, v6;
	_ =	sdelay $0x1  }
0xb9: {  	v4 =	vmul.f32 $1.442695020e+00, v4;
	_ =	sdelay $0x1  }
0xba: {  	(erf) = vpow2.f32 v4  }
0xbb: {  	v4 =	vld [tilespmem:s9+$0x2790]  }
0xbc: {  	v6 =	vld [tilespmem:s9+$0x7610];
	_ =	sdelay $0x6  }
0xbd: {  	v7 =	vpop (erf)  }
0xbe: {  	[tilespmem:s9+$0x11380] =	vst v7;
	v5 =	vmul.f32 v7, v5;
	_ =	sdelay $0x1  }
0xbf: {  	[tilespmem:s9+$0x16200] =	vst v5  }
0xc0: {  	v4 =	vld.idx.msk [tilespmem:v4+s10+$0x0], $0xffff  }
0xc1: {  	v5 =	vld.idx.msk [tilespmem:v6+s10+$0x0], $0xffff;
	_ =	sdelay $0x1  }
0xc2: {  	v6 =	vld [tilespmem:s9+$0xC490];
	_ =	sdelay $0x2  }
0xc3: {  	v7 =	vmul.f32 v4, v2;
	v8 =	vmul.f32 v4, v3  }
0xc4: {  	v9 =	vmul.f32 v5, v0;
	v5 =	vmul.f32 v5, v1  }
0xc5: {  	v10 =	vsub.f32 $1.000000000e+00, v6  }
0xc6: {  	v7 =	vadd.f32 v9, v7;
	v5 =	vadd.f32 v5, v8;
	_ =	sdelay $0x1  }
0xc7: {  	v8 =	vmul.f32 $2.000000030e-01, v7;
	v9 =	vmul.f32 $2.000000030e-01, v5  }
0xc8: {  	vm0 =	vge.f32 v7, $0.0e+00;
	vm1 =	vge.f32 v5, $0.0e+00  }
0xc9: {  	v7 =	vsel vm0, v7, v8;
	v5 =	vsel vm1, v5, v9  }
0xca: {  	v6 =	vmul.f32 v7, v6;
	v5 =	vmul.f32 v5, v10;
	_ =	sdelay $0x1  }
0xcb: {  	v5 =	vadd.f32 v5, v6;
	_ =	sdelay $0x1  }
0xcc: {  	v5 =	vmul.f32 $1.442695020e+00, v5;
	_ =	sdelay $0x1  }
0xcd: {  	(erf) = vpow2.f32 v5  }
0xce: {  	v5 =	vld [tilespmem:s9+$0x27A0]  }
0xcf: {  	v6 =	vld [tilespmem:s9+$0x7620];
	_ =	sdelay $0x6  }
0xd0: {  	v7 =	vpop (erf)  }
0xd1: {  	[tilespmem:s9+$0x11390] =	vst v7;
	v4 =	vmul.f32 v7, v4;
	_ =	sdelay $0x1  }
0xd2: {  	[tilespmem:s9+$0x16210] =	vst v4  }
0xd3: {  	v4 =	vld.idx.msk [tilespmem:v5+s10+$0x0], $0xffff  }
0xd4: {  	v5 =	vld.idx.msk [tilespmem:v6+s10+$0x0], $0xffff;
	_ =	sdelay $0x1  }
0xd5: {  	v6 =	vld [tilespmem:s9+$0xC4A0];
	_ =	sdelay $0x2  }
0xd6: {  	v7 =	vmul.f32 v4, v2;
	v8 =	vmul.f32 v4, v3  }
0xd7: {  	v9 =	vmul.f32 v5, v0;
	v5 =	vmul.f32 v5, v1  }
0xd8: {  	v10 =	vsub.f32 $1.000000000e+00, v6  }
0xd9: {  	v7 =	vadd.f32 v9, v7;
	v5 =	vadd.f32 v5, v8;
	_ =	sdelay $0x1  }
0xda: {  	v8 =	vmul.f32 $2.000000030e-01, v7;
	v9 =	vmul.f32 $2.000000030e-01, v5  }
0xdb: {  	vm0 =	vge.f32 v7, $0.0e+00;
	vm1 =	vge.f32 v5, $0.0e+00  }
0xdc: {  	v7 =	vsel vm0, v7, v8;
	v5 =	vsel vm1, v5, v9  }
0xdd: {  	v6 =	vmul.f32 v7, v6;
	v5 =	vmul.f32 v5, v10;
	_ =	sdelay $0x1  }
0xde: {  	v5 =	vadd.f32 v5, v6;
	_ =	sdelay $0x1  }
0xdf: {  	v5 =	vmul.f32 $1.442695020e+00, v5;
	_ =	sdelay $0x1  }
0xe0: {  	(erf) = vpow2.f32 v5  }
0xe1: {  	v5 =	vld [tilespmem:s9+$0x27B0]  }
0xe2: {  	v6 =	vld [tilespmem:s9+$0x7630];
	_ =	sdelay $0x6  }
0xe3: {  	v7 =	vpop (erf)  }
0xe4: {  	[tilespmem:s9+$0x113A0] =	vst v7;
	v4 =	vmul.f32 v7, v4;
	_ =	sdelay $0x1  }
0xe5: {  	[tilespmem:s9+$0x16220] =	vst v4  }
0xe6: {  	v4 =	vld.idx.msk [tilespmem:v5+s10+$0x0], $0xffff  }
0xe7: {  	v5 =	vld.idx.msk [tilespmem:v6+s10+$0x0], $0xffff;
	_ =	sdelay $0x1  }
0xe8: {  	v6 =	vld [tilespmem:s9+$0xC4B0];
	_ =	sdelay $0x2  }
0xe9: {  	v7 =	vmul.f32 v4, v2;
	v8 =	vmul.f32 v4, v3  }
0xea: {  	v9 =	vmul.f32 v5, v0;
	v5 =	vmul.f32 v5, v1  }
0xeb: {  	v10 =	vsub.f32 $1.000000000e+00, v6  }
0xec: {  	v7 =	vadd.f32 v9, v7;
	v5 =	vadd.f32 v5, v8;
	_ =	sdelay $0x1  }
0xed: {  	v8 =	vmul.f32 $2.000000030e-01, v7;
	v9 =	vmul.f32 $2.000000030e-01, v5  }
0xee: {  	vm0 =	vge.f32 v7, $0.0e+00;
	vm1 =	vge.f32 v5, $0.0e+00  }
0xef: {  	v7 =	vsel vm0, v7, v8;
	v5 =	vsel vm1, v5, v9  }
0xf0: {  	v6 =	vmul.f32 v7, v6;
	v5 =	vmul.f32 v5, v10;
	_ =	sdelay $0x1  }
0xf1: {  	v5 =	vadd.f32 v5, v6;
	_ =	sdelay $0x1  }
0xf2: {  	v5 =	vmul.f32 $1.442695020e+00, v5;
	_ =	sdelay $0x1  }
0xf3: {  	(erf) = vpow2.f32 v5  }
0xf4: {  	v5 =	vld [tilespmem:s9+$0x27C0]  }
0xf5: {  	v6 =	vld [tilespmem:s9+$0x7640];
	_ =	sdelay $0x6  }
0xf6: {  	v7 =	vpop (erf)  }
0xf7: {  	[tilespmem:s9+$0x113B0] =	vst v7;
	v4 =	vmul.f32 v7, v4;
	_ =	sdelay $0x1  }
0xf8: {  	[tilespmem:s9+$0x16230] =	vst v4  }
0xf9: {  	v4 =	vld.idx.msk [tilespmem:v5+s10+$0x0], $0xffff  }
0xfa: {  	v5 =	vld.idx.msk [tilespmem:v6+s10+$0x0], $0xffff  }
0xfb: {  	v6 =	vld [tilespmem:s9+$0xC4C0];
	_ =	sdelay $0x3  }
0xfc: {  	v7 =	vmul.f32 v4, v2;
	v8 =	vmul.f32 v4, v3  }
0xfd: {  	v9 =	vmul.f32 v5, v0;
	v5 =	vmul.f32 v5, v1;
	v10 =	vsub.f32 $1.000000000e+00, v6;
	_ =	sdelay $0x1  }
0xfe: {  	v7 =	vadd.f32 v9, v7;
	v5 =	vadd.f32 v5, v8;
	_ =	sdelay $0x1  }
0xff: {  	vm0 =	vge.f32 v7, $0.0e+00;
	v8 =	vmul.f32 $2.000000030e-01, v7;
	v9 =	vmul.f32 $2.000000030e-01, v5  }
0x100: {  	vm1 =	vge.f32 v5, $0.0e+00  }
0x101: {  	v7 =	vsel vm0, v7, v8;
	v5 =	vsel vm1, v5, v9  }
0x102: {  	v6 =	vmul.f32 v7, v6;
	v5 =	vmul.f32 v5, v10;
	_ =	sdelay $0x1  }
0x103: {  	v5 =	vadd.f32 v5, v6  }
.Ltmp1:
0x104: {  	(pc) =	sbr.rel @p0 .LBB2_2-.Ltmp1, $4  }
0x105: {  	v6 =	vmul.f32 $1.442695020e+00, v5  }
0x106: {  	s13 =	sshra.s32 s12, $0x2  }
0x107: {  	v5 =	vld [tilespmem:s13+$0x2780];
	(erf) = vpow2.f32 v6  }
0x108: {  	v6 =	vld [tilespmem:s13+$0x7600]  }
0x109: {  	_ =	sdelay $0x6  }
0x10a: {  	v7 =	vpop (erf)  }
0x10b: {  	v4 =	vmul.f32 v7, v4  }
0x10c: {  	[tilespmem:s9+$0x113C0] =	vst v7  }
0x10d: {  	v20 =	vld [tilespmem:s13+$0xC480];
	[tilespmem:s9+$0x16240] =	vst v4  }
0x10e: {  	v4 =	vld.idx.msk [tilespmem:v6+s10+$0x0], $0xffff  }
0x10f: {  	v5 =	vld.idx.msk [tilespmem:v5+s10+$0x0], $0xffff;
	_ =	sdelay $0x3  }
0x110: {  	v6 =	vmul.f32 v4, v0;
	v4 =	vmul.f32 v4, v1  }
0x111: {  	v8 =	vmul.f32 v5, v2;
	v9 =	vmul.f32 v5, v3;
	_ =	sdelay $0x1  }
0x112: {  	v6 =	vadd.f32 v6, v8;
	v4 =	vadd.f32 v4, v9;
	_ =	sdelay $0x1  }
0x113: {  	v8 =	vmul.f32 $2.000000030e-01, v6;
	v9 =	vmul.f32 $2.000000030e-01, v4  }
0x114: {  	v10 =	vsub.f32 $1.000000000e+00, v20;
	vm0 =	vge.f32 v6, $0.0e+00;
	vm1 =	vge.f32 v4, $0.0e+00  }
0x115: {  	v6 =	vsel vm0, v6, v8;
	v4 =	vsel vm1, v4, v9  }
0x116: {  	v6 =	vmul.f32 v6, v20;
	v4 =	vmul.f32 v4, v10;
	_ =	sdelay $0x1  }
0x117: {  	v4 =	vadd.f32 v4, v6;
	_ =	sdelay $0x1  }
0x118: {  	v4 =	vmul.f32 $1.442695020e+00, v4;
	_ =	sdelay $0x1  }
0x119: {  	(erf) = vpow2.f32 v4;
	_ =	sdelay $0x4  }
0x11a: {  	v21 =	vld [tilespmem:s13+$0x2790]  }
0x11b: {  	v22 =	vld [tilespmem:s13+$0x7610];
	_ =	sdelay $0x2  }
0x11c: {  	v23 =	vpop (erf)  }
0x11d: {  	v5 =	vmul.f32 v23, v5  }
0x11e: {  	[tilespmem:s13+$0x11380] =	vst v23  }
0x11f: {  	[tilespmem:s13+$0x16200] =	vst v5  }
0x120: {  	v4 =	vld.idx.msk [tilespmem:v21+s10+$0x0], $0xffff  }
0x121: {  	v5 =	vld.idx.msk [tilespmem:v22+s10+$0x0], $0xffff;
	_ =	sdelay $0x3  }
0x122: {  	v24 =	vmul.f32 v4, v2;
	v25 =	vmul.f32 v4, v3  }
0x123: {  	v26 =	vld [tilespmem:s13+$0xC490];
	v27 =	vmul.f32 v5, v0;
	v5 =	vmul.f32 v5, v1;
	_ =	sdelay $0x1  }
0x124: {  	v6 =	vadd.f32 v27, v24;
	v5 =	vadd.f32 v5, v25;
	_ =	sdelay $0x1  }
0x125: {  	v28 =	vmul.f32 $2.000000030e-01, v6;
	v29 =	vmul.f32 $2.000000030e-01, v5  }
0x126: {  	v30 =	vsub.f32 $1.000000000e+00, v26;
	vm8 =	vge.f32 v6, $0.0e+00;
	vm9 =	vge.f32 v5, $0.0e+00  }
0x127: {  	v6 =	vsel vm8, v6, v28;
	v5 =	vsel vm9, v5, v29  }
0x128: {  	v6 =	vmul.f32 v6, v26;
	v5 =	vmul.f32 v5, v30;
	_ =	sdelay $0x1  }
0x129: {  	v5 =	vadd.f32 v5, v6;
	_ =	sdelay $0x1  }
0x12a: {  	v5 =	vmul.f32 $1.442695020e+00, v5;
	_ =	sdelay $0x1  }
0x12b: {  	(erf) = vpow2.f32 v5;
	_ =	sdelay $0x4  }
0x12c: {  	v31 =	vld [tilespmem:s13+$0x27A0]  }
0x12d: {  	v32 =	vld [tilespmem:s13+$0x7620];
	_ =	sdelay $0x2  }
0x12e: {  	v33 =	vpop (erf)  }
0x12f: {  	v4 =	vmul.f32 v33, v4  }
0x130: {  	[tilespmem:s13+$0x11390] =	vst v33  }
0x131: {  	[tilespmem:s13+$0x16210] =	vst v4  }
0x132: {  	v4 =	vld.idx.msk [tilespmem:v31+s10+$0x0], $0xffff  }
0x133: {  	v34 =	vld.idx.msk [tilespmem:v32+s10+$0x0], $0xffff;
	_ =	sdelay $0x3  }
0x134: {  	v35 =	vmul.f32 v4, v2;
	v36 =	vmul.f32 v4, v3  }
0x135: {  	v37 =	vld [tilespmem:s13+$0xC4A0];
	v38 =	vmul.f32 v34, v0;
	v5 =	vmul.f32 v34, v1;
	_ =	sdelay $0x1  }
0x136: {  	v6 =	vadd.f32 v38, v35;
	v5 =	vadd.f32 v5, v36;
	_ =	sdelay $0x1  }
0x137: {  	v39 =	vmul.f32 $2.000000030e-01, v6;
	v40 =	vmul.f32 $2.000000030e-01, v5  }
0x138: {  	v41 =	vsub.f32 $1.000000000e+00, v37;
	vm10 =	vge.f32 v6, $0.0e+00;
	vm11 =	vge.f32 v5, $0.0e+00  }
0x139: {  	v6 =	vsel vm10, v6, v39;
	v5 =	vsel vm11, v5, v40  }
0x13a: {  	v6 =	vmul.f32 v6, v37;
	v5 =	vmul.f32 v5, v41;
	_ =	sdelay $0x1  }
0x13b: {  	v5 =	vadd.f32 v5, v6;
	_ =	sdelay $0x1  }
0x13c: {  	v5 =	vmul.f32 $1.442695020e+00, v5;
	_ =	sdelay $0x1  }
0x13d: {  	(erf) = vpow2.f32 v5;
	_ =	sdelay $0x4  }
0x13e: {  	v42 =	vld [tilespmem:s13+$0x27B0]  }
0x13f: {  	v43 =	vld [tilespmem:s13+$0x7630];
	_ =	sdelay $0x2  }
0x140: {  	v44 =	vpop (erf)  }
0x141: {  	v4 =	vmul.f32 v44, v4  }
0x142: {  	[tilespmem:s13+$0x113A0] =	vst v44  }
0x143: {  	[tilespmem:s13+$0x16220] =	vst v4  }
0x144: {  	v4 =	vld.idx.msk [tilespmem:v42+s10+$0x0], $0xffff  }
0x145: {  	v45 =	vld.idx.msk [tilespmem:v43+s10+$0x0], $0xffff;
	_ =	sdelay $0x3  }
0x146: {  	v46 =	vmul.f32 v4, v2;
	v47 =	vmul.f32 v4, v3  }
0x147: {  	v48 =	vld [tilespmem:s13+$0xC4B0];
	v49 =	vmul.f32 v45, v0;
	v5 =	vmul.f32 v45, v1;
	_ =	sdelay $0x1  }
0x148: {  	v6 =	vadd.f32 v49, v46;
	v5 =	vadd.f32 v5, v47;
	_ =	sdelay $0x1  }
0x149: {  	v50 =	vmul.f32 $2.000000030e-01, v6;
	v51 =	vmul.f32 $2.000000030e-01, v5  }
0x14a: {  	v52 =	vsub.f32 $1.000000000e+00, v48;
	vm12 =	vge.f32 v6, $0.0e+00;
	vm13 =	vge.f32 v5, $0.0e+00  }
0x14b: {  	v6 =	vsel vm12, v6, v50;
	v5 =	vsel vm13, v5, v51  }
0x14c: {  	v6 =	vmul.f32 v6, v48;
	v5 =	vmul.f32 v5, v52;
	_ =	sdelay $0x1  }
0x14d: {  	v5 =	vadd.f32 v5, v6;
	_ =	sdelay $0x1  }
0x14e: {  	v5 =	vmul.f32 $1.442695020e+00, v5;
	_ =	sdelay $0x1  }
0x14f: {  	(erf) = vpow2.f32 v5;
	_ =	sdelay $0x4  }
0x150: {  	v53 =	vld [tilespmem:s13+$0x27C0]  }
0x151: {  	v54 =	vld [tilespmem:s13+$0x7640];
	_ =	sdelay $0x2  }
0x152: {  	v55 =	vpop (erf)  }
0x153: {  	v4 =	vmul.f32 v55, v4  }
0x154: {  	[tilespmem:s13+$0x113B0] =	vst v55  }
0x155: {  	[tilespmem:s13+$0x16230] =	vst v4  }
0x156: {  	v4 =	vld.idx.msk [tilespmem:v53+s10+$0x0], $0xffff  }
0x157: {  	v56 =	vld.idx.msk [tilespmem:v54+s10+$0x0], $0xffff;
	_ =	sdelay $0x3  }
0x158: {  	v57 =	vmul.f32 v4, v2;
	v58 =	vmul.f32 v4, v3  }
0x159: {  	v59 =	vld [tilespmem:s13+$0xC4C0];
	v60 =	vmul.f32 v56, v0;
	v61 =	vmul.f32 v56, v1;
	_ =	sdelay $0x1  }
0x15a: {  	v0 =	vadd.f32 v60, v57;
	v1 =	vadd.f32 v61, v58;
	_ =	sdelay $0x1  }
0x15b: {  	v2 =	vmul.f32 $2.000000030e-01, v0;
	v3 =	vmul.f32 $2.000000030e-01, v1  }
0x15c: {  	v62 =	vsub.f32 $1.000000000e+00, v59;
	vm14 =	vge.f32 v0, $0.0e+00;
	vm15 =	vge.f32 v1, $0.0e+00  }
0x15d: {  	v0 =	vsel vm14, v0, v2;
	v1 =	vsel vm15, v1, v3  }
0x15e: {  	v0 =	vmul.f32 v0, v59;
	v1 =	vmul.f32 v1, v62;
	_ =	sdelay $0x1  }
0x15f: {  	v0 =	vadd.f32 v1, v0;
	_ =	sdelay $0x1  }
0x160: {  	v0 =	vmul.f32 $1.442695020e+00, v0;
	_ =	sdelay $0x1  }
0x161: {  	(erf) = vpow2.f32 v0;
	_ =	sdelay $0x7  }
0x162: {  	p0 =	por $0x1, $0x1  }
.Ltmp2:
0x163: {  	v0 =	vpop (erf);
	(pc) =	sbr.rel @!p0 .LBB2_5-.Ltmp2, $4  }
0x164: {  	v63 =	vmul.f32 v0, v4  }
0x165: {  	s31 =	simm.s32 $0x11380;
	s11 =	simm.s32 $0x7600;
	[tilespmem:s13+$0x113C0] =	vst v0  }
0x166: {  	s12 =	simm.s32 $0x16200;
	s9 =	simm.s32 $0x50;
	s10 =	simm.s32 $0x140;
	[tilespmem:s13+$0x16240] =	vst v63  }
0x167: {  	[spmem:s3] =	stream.indirect.scatter.add.f32 [tilespmem:s31], [sflag:$0x1], $0x1, s11, s9, $0xb8;
	[tilespmem:$0x1E280] =	vst v63  }
.LBB2_4:
0x168: {  	[spmem:s5] =	stream.indirect.scatter.add.f32 [tilespmem:s12], [sflag:$0x2], $0x1, s11, s9, $0xb8;
	[tilespmem:$0x1E280] =	vst v63  }
0x169: {  	s11 =	smov.u32 s10;
	p0 =	sne.s32 s10, $0x13740  }
.Ltmp3:
0x16a: {  	s10 =	sadd.s32 $0x140, s10;
	(pc) =	sbr.rel @p0 .LBB2_4-.Ltmp3, $4  }
0x16b: {  	s12 =	sshra.s32 s11, $0x2  }
0x16c: {  	s13 =	sadd.s32 $0x11380, s12;
	s11 =	sadd.s32 $0x7600, s12  }
0x16d: {  	[spmem:s3] =	stream.indirect.scatter.add.f32 [tilespmem:s13], [sflag:$0x1], $0x1, s11, s9, $0xb8;
	[tilespmem:$0x1E280] =	vst v63  }
0x16e: {  	s12 =	sadd.s32 $0x16200, s12  }
.LBB2_5:
0x16f: {  	[spmem:s5] =	stream.indirect.scatter.add.f32 [tilespmem:s12], [sflag:$0x2], $0x1, s11, s9, $0xb8;
	[tilespmem:$0x1E280] =	vst v63  }
0x170: {  	s5 =	simm.s32 $0x1  }
0x171: {  	_ =	swait.ge [sflag:s5], $0x50  }
0x172: {  	[sflag:s5] =	ssyncset.done $0x0  }
0x173: {  	s9 =	simm.s32 $0x2;
	[sflag:s5] =	ssyncadd.s32 $0xFFFFFFB0  }
0x174: {  	_ =	swait.ge [sflag:s9], $0x50  }
0x175: {  	s10 =	simm.s32 $0xF9;
	[sflag:s9] =	ssyncset.done $0x0  }
.LBB2_6:
0x176: {  	p0 =	sne.s32 s10, $0x1;
	s10 =	sadd.s32 $0xFFFFFFFF, s10;
	[sflag:s9] =	ssyncadd.s32 $0xFFFFFFB0  }
.Ltmp4:
0x177: {  	_ =	swait.ge [sflag:s5], $0x50;
	(pc) =	sbr.rel @p0 .LBB2_6-.Ltmp4, $4  }
0x178: {  	[sflag:s5] =	ssyncset.done $0x0  }
0x179: {  	[sflag:s5] =	ssyncadd.s32 $0xFFFFFFB0  }
0x17a: {  	_ =	swait.ge [sflag:s9], $0x50  }
0x17b: {  	[sflag:s9] =	ssyncset.done $0x0  }
0x17c: {  	[sflag:s9] =	ssyncadd.s32 $0xFFFFFFB0  }
0x17d: {  	s5 =	simm.s32 $0x1B080;
	s31 =	simm.s32 $0x3;
	[bflag:$0x0] =	sbarrier.arrive $0xFFFF  }
0x17e: {  	[tilespmem:s5], [sflag:$0x3] =	stream.linear.gather [spmem:s3], $0x2800, $0x38;
	[tilespmem:$0x1E280] =	vst v63  }
0x17f: {  	_ =	swait.ge [sflag:s31], $0x2800  }
0x180: {  	[sflag:s31] =	ssyncset.done $0x0  }
0x181: {  	s3 =	simm.s32 $0x1D880;
	[sflag:s31] =	ssyncadd.s32 $0xFFFFD800  }
0x182: {  	[tilespmem:s3], [sflag:$0x3] =	stream.linear.gather [spmem:s6], $0x280, $0x38;
	[tilespmem:$0x1E280] =	vst v63  }
0x183: {  	_ =	swait.ge [sflag:s31], $0x280  }
0x184: {  	s9 =	simm.s32 $0x40;
	[sflag:s31] =	ssyncset.done $0x0  }
0x185: {  	s5 =	simm.s32 $0x0;
	s6 =	simm.s32 $0x0;
	[sflag:s31] =	ssyncadd.s32 $0xFFFFFD80  }
.LBB2_8:
0x186: {  	p0 =	sne.s32 s9, $0x9FC0;
	v0 =	vld [tilespmem:s6+$0x1B080];
	_ =	sdelay $0x4  }
0x187: {  	v0 =	vadd.f32 $1.000000020e-16, v0;
	_ =	sdelay $0x1  }
0x188: {  	(erf) = vrcp.f32 v0;
	_ =	sdelay $0x5  }
.Ltmp5:
0x189: {  	(pc) =	sbr.rel @p0 .LBB2_8-.Ltmp5, $3  }
0x18a: {  	_ =	sdelay $0x1  }
0x18b: {  	v0 =	vpop (erf)  }
0x18c: {  	[tilespmem:s6+$0x1B080] =	vst v0;
	s6 =	sshra.s32 s9, $0x2;
	s9 =	sadd.s32 $0x40, s9  }
0x18d: {  	v0 =	vld [tilespmem:s6+$0x1B080];
	_ =	sdelay $0x4  }
0x18e: {  	v0 =	vadd.f32 $1.000000020e-16, v0;
	_ =	sdelay $0x1  }
0x18f: {  	(erf) = vrcp.f32 v0;
	_ =	sdelay $0x7  }
0x190: {  	s9 =	sadd.s32 $0x0, s2  }
0x191: {  	s5 =	sand.u32 $0x70, s5;
	s9 =	sand.u32 $0x7F80, s9;
	v0 =	vpop (erf)  }
0x192: {  	s5 =	sor.u32 s5, s9;
	[tilespmem:s6+$0x1B080] =	vst v0  }
0x193: {  	v0 =	vld [tilespmem:s5+$0x1B080]  }
0x194: {  	v1 =	vld [tilespmem:s3+$0x0];
	_ =	sdelay $0x3  }
0x195: {  	s30 =	simm.s32 $0x10  }
0x196: {  	s31 =	sadd.s32 $0x10, s2;
	s10 =	sand.u32 $0x70, s30;
	v0 =	vmul.f32 v0, v1  }
0x197: {  	s9 =	sand.u32 $0x7F80, s31;
	s6 =	simm.s32 $0x20;
	s5 =	simm.s32 $0x1DB00  }
.LBB2_10:
0x198: {  	p0 =	sne.s32 s6, $0x270;
	s9 =	sor.u32 s10, s9;
	[tilespmem:s5+$0x0] =	vst v0  }
0x199: {  	s3 =	sadd.s32 $0x10, s3;
	v0 =	vld [tilespmem:s9+$0x1B080]  }
0x19a: {  	v1 =	vld [tilespmem:s3+$0x0];
	_ =	sdelay $0x1  }
.Ltmp6:
0x19b: {  	(pc) =	sbr.rel @p0 .LBB2_10-.Ltmp6, $3  }
0x19c: {  	_ =	sdelay $0x1  }
0x19d: {  	s5 =	sadd.s32 $0x10, s5;
	s9 =	sadd.s32 s6, s2;
	v0 =	vmul.f32 v0, v1  }
0x19e: {  	s10 =	sand.u32 $0x70, s6;
	s6 =	sadd.s32 $0x10, s6;
	s9 =	sand.u32 $0x7F80, s9  }
0x19f: {  	s2 =	sor.u32 s10, s9;
	[tilespmem:s5+$0x0] =	vst v0  }
0x1a0: {  	s30 =	sadd.s32 $0x10, s3;
	v0 =	vld [tilespmem:s2+$0x1B080]  }
0x1a1: {  	v1 =	vld [tilespmem:s30+$0x0];
	_ =	sdelay $0x4  }
0x1a2: {  	v0 =	vmul.f32 v0, v1  }
0x1a3: {  	s31 =	sadd.s32 $0x10, s5;
	p0 =	seq.s32 s1, $0xF  }
0x1a4: {  	s2 =	simm.s32 @p0 $0x0;
	s3 =	simm.s32 @p0 $0x1DB00;
	[tilespmem:s31+$0x0] =	vst v0  }
0x1a5: {  	[hbm4b:s8+s2] =	stream.linear.scatter @p0 [tilespmem:s3], [sflag:$0x3], $0x190, $0x38;
	[tilespmem:$0x1E280] =	vst v63  }
0x1a6: {  	s2 =	simm.s32 @p0 $0x3  }
0x1a7: {  	_ =	swait.ge @p0 [sflag:s2], $0x190  }
0x1a8: {  	[sflag:s2] =	ssyncset.done @p0 $0x0  }
0x1a9: {  	s3 =	simm.s32 @!p0 $0x1DB00;
	[sflag:s2] =	ssyncadd.s32 @p0 $0xFFFFFE70;
	s2 =	simm.s32 @!p0 $0x0  }
0x1aa: {  	[hbm4b:s7+s2] =	stream.linear.scatter @!p0 [tilespmem:s3], [sflag:$0x3], $0x280, $0x38;
	[tilespmem:$0x1E280] =	vst v63  }
0x1ab: {  	s2 =	simm.s32 @!p0 $0x3  }
0x1ac: {  	_ =	swait.ge @!p0 [sflag:s2], $0x280  }
0x1ad: {  	[sflag:s2] =	ssyncset.done @!p0 $0x0  }
0x1ae: {  	s3 =	simm.s32 $0x0;
	[sflag:s2] =	ssyncadd.s32 @!p0 $0xFFFFFD80  }
0x1af: {  	v0 =	vld [tilespmem:s3+$0x7600];
	_ =	sdelay $0x5  }
0x1b0: {  	v1 =	vld [tilespmem:s3+$0x11380]  }
0x1b1: {  	s2 =	simm.s32 $0x1B080;
	v2 =	vld [tilespmem:s3+$0x7610]  }
0x1b2: {  	v0 =	vld.idx.msk [tilespmem:v0+s2+$0x0], $0xffff;
	_ =	sdelay $0x4  }
0x1b3: {  	v0 =	vmul.f32 v1, v0;
	_ =	sdelay $0x1  }
0x1b4: {  	[tilespmem:s3+$0x16200] =	vst v0;
	v0 =	vld [tilespmem:s3+$0x11390]  }
0x1b5: {  	v1 =	vld.idx.msk [tilespmem:v2+s2+$0x0], $0xffff  }
0x1b6: {  	v2 =	vld [tilespmem:s3+$0x7620];
	_ =	sdelay $0x4  }
0x1b7: {  	v0 =	vmul.f32 v0, v1;
	_ =	sdelay $0x1  }
0x1b8: {  	[tilespmem:s3+$0x16210] =	vst v0;
	v0 =	vld [tilespmem:s3+$0x113A0]  }
0x1b9: {  	v1 =	vld.idx.msk [tilespmem:v2+s2+$0x0], $0xffff  }
0x1ba: {  	v2 =	vld [tilespmem:s3+$0x7630];
	_ =	sdelay $0x4  }
0x1bb: {  	v0 =	vmul.f32 v0, v1;
	_ =	sdelay $0x1  }
0x1bc: {  	[tilespmem:s3+$0x16220] =	vst v0;
	v0 =	vld [tilespmem:s3+$0x113B0]  }
0x1bd: {  	v1 =	vld.idx.msk [tilespmem:v2+s2+$0x0], $0xffff  }
0x1be: {  	v2 =	vld [tilespmem:s3+$0x7640];
	_ =	sdelay $0x4  }
0x1bf: {  	v0 =	vmul.f32 v0, v1;
	_ =	sdelay $0x1  }
0x1c0: {  	[tilespmem:s3+$0x16230] =	vst v0;
	v0 =	vld [tilespmem:s3+$0x113C0]  }
0x1c1: {  	s6 =	simm.s32 $0x50;
	s5 =	simm.s32 $0x280;
	v1 =	vld.idx.msk [tilespmem:v2+s2+$0x0], $0xffff  }
.LBB2_12:
0x1c2: {  	p0 =	sne.s32 s5, $0x13740;
	v2 =	vld [tilespmem:s6+$0x7600];
	_ =	sdelay $0x4  }
0x1c3: {  	v0 =	vmul.f32 v0, v1;
	_ =	sdelay $0x1  }
0x1c4: {  	v1 =	vld [tilespmem:s6+$0x11380];
	[tilespmem:s3+$0x16240] =	vst v0;
	s3 =	smov.u32 s6  }
0x1c5: {  	v0 =	vld.idx.msk [tilespmem:v2+s2+$0x0], $0xffff  }
0x1c6: {  	v2 =	vld [tilespmem:s3+$0x7610];
	_ =	sdelay $0x4  }
0x1c7: {  	v0 =	vmul.f32 v1, v0;
	_ =	sdelay $0x1  }
0x1c8: {  	[tilespmem:s3+$0x16200] =	vst v0;
	v0 =	vld [tilespmem:s3+$0x11390]  }
0x1c9: {  	v1 =	vld.idx.msk [tilespmem:v2+s2+$0x0], $0xffff  }
0x1ca: {  	v2 =	vld [tilespmem:s3+$0x7620];
	_ =	sdelay $0x4  }
0x1cb: {  	v0 =	vmul.f32 v0, v1;
	_ =	sdelay $0x1  }
0x1cc: {  	[tilespmem:s3+$0x16210] =	vst v0;
	v0 =	vld [tilespmem:s3+$0x113A0]  }
0x1cd: {  	v1 =	vld.idx.msk [tilespmem:v2+s2+$0x0], $0xffff  }
0x1ce: {  	v2 =	vld [tilespmem:s3+$0x7630];
	_ =	sdelay $0x4  }
0x1cf: {  	v0 =	vmul.f32 v0, v1;
	_ =	sdelay $0x1  }
0x1d0: {  	[tilespmem:s3+$0x16220] =	vst v0;
	v0 =	vld [tilespmem:s3+$0x113B0]  }
0x1d1: {  	v1 =	vld.idx.msk [tilespmem:v2+s2+$0x0], $0xffff  }
0x1d2: {  	v2 =	vld [tilespmem:s3+$0x7640];
	_ =	sdelay $0x3  }
.Ltmp7:
0x1d3: {  	(pc) =	sbr.rel @p0 .LBB2_12-.Ltmp7, $3  }
0x1d4: {  	v0 =	vmul.f32 v0, v1;
	_ =	sdelay $0x1  }
0x1d5: {  	[tilespmem:s3+$0x16230] =	vst v0;
	v0 =	vld [tilespmem:s3+$0x113C0]  }
0x1d6: {  	s6 =	sshra.s32 s5, $0x2;
	s5 =	sadd.s32 $0x140, s5;
	v1 =	vld.idx.msk [tilespmem:v2+s2+$0x0], $0xffff  }
0x1d7: {  	v2 =	vld [tilespmem:s6+$0x7600];
	_ =	sdelay $0x3  }
0x1d8: {  	v0 =	vmul.f32 v0, v1;
	_ =	sdelay $0x1  }
0x1d9: {  	v51 =	vld [tilespmem:s6+$0x11380];
	[tilespmem:s3+$0x16240] =	vst v0  }
0x1da: {  	v52 =	vld [tilespmem:s6+$0x7610]  }
0x1db: {  	v0 =	vld.idx.msk [tilespmem:v2+s2+$0x0], $0xffff;
	_ =	sdelay $0x4  }
0x1dc: {  	v0 =	vmul.f32 v51, v0  }
0x1dd: {  	v53 =	vld [tilespmem:s6+$0x11390]  }
0x1de: {  	v55 =	vld [tilespmem:s6+$0x7620];
	[tilespmem:s6+$0x16200] =	vst v0  }
0x1df: {  	v54 =	vld.idx.msk [tilespmem:v52+s2+$0x0], $0xffff;
	_ =	sdelay $0x4  }
0x1e0: {  	v0 =	vmul.f32 v53, v54  }
0x1e1: {  	v56 =	vld [tilespmem:s6+$0x113A0]  }
0x1e2: {  	v58 =	vld [tilespmem:s6+$0x7630];
	[tilespmem:s6+$0x16210] =	vst v0  }
0x1e3: {  	v57 =	vld.idx.msk [tilespmem:v55+s2+$0x0], $0xffff;
	_ =	sdelay $0x4  }
0x1e4: {  	v0 =	vmul.f32 v56, v57  }
0x1e5: {  	v59 =	vld [tilespmem:s6+$0x113B0]  }
0x1e6: {  	v61 =	vld [tilespmem:s6+$0x7640];
	[tilespmem:s6+$0x16220] =	vst v0  }
0x1e7: {  	v60 =	vld.idx.msk [tilespmem:v58+s2+$0x0], $0xffff;
	_ =	sdelay $0x4  }
0x1e8: {  	v0 =	vmul.f32 v59, v60;
	_ =	sdelay $0x1  }
0x1e9: {  	v62 =	vld [tilespmem:s6+$0x113C0];
	[tilespmem:s6+$0x16230] =	vst v0  }
0x1ea: {  	v63 =	vld.idx.msk [tilespmem:v61+s2+$0x0], $0xffff;
	_ =	sdelay $0x4  }
0x1eb: {  	v0 =	vmul.f32 v62, v63;
	_ =	sdelay $0x1  }
0x1ec: {  	s29 =	simm.s32 $0x0;
	s30 =	simm.s32 $0x16200;
	s31 =	simm.s32 $0x3;
	[tilespmem:s6+$0x16240] =	vst v0  }
0x1ed: {  	[hbm4b:s4+s29] =	stream.linear.scatter [tilespmem:s30], [sflag:$0x3], $0x4E20, $0x38;
	[tilespmem:$0x1E280] =	vst v63  }
0x1ee: {  	_ =	swait.ge [sflag:s31], $0x4E20  }
0x1ef: {  	[sflag:s31] =	ssyncset.done $0x0  }
0x1f0: {  	[sflag:s31] =	ssyncadd.s32 $0xFFFFB1E0  }
.LBB2_14:
0x1f1: {  	_ =	sfence.sel $0x180000  }
0x1f2: {  	[bflag:$0x0] =	sbarrier.arrive $0xFFFF  }
0x1f3: {  	p0 =	sne.s32 s1, $0x0;
	_ =	strace $0x90000047  }
0x1f4: {  	s0 =	sadd.s32 @!p0 $0x100000, s0;
	[bflag:$0x2] =	sbarrier.arrive $0xFFFF  }
0x1f5: {  	[sflag:s0] =	ssyncadd.tile.s32 @!p0 $0x1;
	_ =	shalt  }
.Lfunc_end2:
_tile_overlayer_lowered:
.L_overlay_start_2:
0x1f6: {  	(tag) =	ssettag $0x2  }
0x1f7: {  	s0 =	rddreg [dreg:$0x0];
	s2 =	stileid.u32  }
0x1f8: {  	s1 =	rddreg [dreg:$0x1];
	p0 =	sne.s32 s2, $0x0  }
0x1f9: {  	s3 =	rddreg [dreg:$0x2];
	[bflag:$0x3] =	sbarrier.arrive $0xFFFF;
	s2 =	simm.s32 @!p0 $0x1C03  }
0x1fa: {  	[timem:s3], [sflag:s2] =	dma.local @!p0 [hbm:s0], s1  }
0x1fb: {  	s0 =	simm.s32 @!p0 $0x3  }
0x1fc: {  	_ =	swait.ge @!p0 [sflag:s0], s1  }
0x1fd: {  	s1 =	ssub.s32 @!p0 $0x0, s1;
	[sflag:s0] =	ssyncset.done @!p0 $0x0  }
0x1fe: {  	[sflag:s0] =	ssyncadd.s32 @!p0 s1  }
0x1ff: {  	[bflag:$0x3] =	sbarrier.arrive $0xFFFF  }
0x200: {  	_ =	shalt  }

</sc_bundles>
